<compile_context>
chip_gen: v7x
topology: tpu7x:2x2x1
jax: 0.10.2.dev20260603
libtpu: 0.0.44.dev20260713+nightly
codegen_flags: <defaults>
</compile_context>

<pallas_src>
import functools

import jax
import jax.numpy as jnp
from jax.experimental import pallas as pl
from jax.experimental.pallas import tpu as pltpu
from jax.experimental.pallas import tpu_sc as plsc

B = 512
T = 201
INPUT_DIM = 256
HIDDEN = 256
OUT_DIM = 128
KEY_DIM = 128
D_KEY = 128
D_VAL = 128
MAX_SLOTS = 512
TEMP = 0.1
NW = T - 1
TB = 8
NB = NW // TB


NPAD = NW + 8
PADROW = NPAD - 1
NWORK = 32
SLOTS_PER_W = MAX_SLOTS // NWORK


def _prep_kernel(x0_ref, wkpT_ref, bkp_ref, qpad_ref, vpad_ref,
                 srcrow_ref, maskrow_ref):
    x0 = x0_ref[...]
    val_part = x0[:, KEY_DIM:]
    s = jnp.sum(val_part, axis=1, keepdims=True)
    do = s >= 0.5
    dof = do.astype(jnp.float32)
    rowi = jax.lax.broadcasted_iota(jnp.int32, (NW, NW), 0)
    colj = jax.lax.broadcasted_iota(jnp.int32, (NW, NW), 1)
    lower = (colj < rowi).astype(jnp.float32)
    slot = jnp.dot(lower, dof, preferred_element_type=jnp.float32)
    sloti = slot.astype(jnp.int32)
    q = (jnp.dot(x0[:, :KEY_DIM], wkpT_ref[...],
                 preferred_element_type=jnp.float32) + bkp_ref[...])
    slots_iota = jax.lax.broadcasted_iota(jnp.int32, (NW, MAX_SLOTS), 1)
    oh = ((slots_iota == sloti) & do).astype(jnp.float32)
    active = jnp.sum(oh, axis=0, keepdims=True)
    tvec = jax.lax.broadcasted_iota(jnp.int32, (NW, 1), 0).astype(jnp.float32)
    srcsum = jax.lax.dot_general(
        tvec, oh, (((0,), (0,)), ((), ())),
        preferred_element_type=jnp.float32)
    srcrow_ref[...] = srcsum + (1.0 - active) * float(PADROW)
    maskrow_ref[...] = active
    qpad_ref[...] = jnp.zeros_like(qpad_ref)
    vpad_ref[...] = jnp.zeros_like(vpad_ref)
    qpad_ref[:NW, :] = q
    vpad_ref[:NW, :] = val_part


def _sc_compact_body(qpad_hbm, vpad_hbm, srcrow_hbm, keys_hbm, vals_hbm,
                     idx_v, q_v, v_v, sem1, sem2):
    wid = jax.lax.axis_index("s") * 2 + jax.lax.axis_index("c")
    pltpu.sync_copy(srcrow_hbm.at[wid], idx_v)
    cp1 = pltpu.async_copy(qpad_hbm.at[idx_v], q_v, sem1)
    cp2 = pltpu.async_copy(vpad_hbm.at[idx_v], v_v, sem2)
    cp1.wait()
    cp2.wait()
    pltpu.sync_copy(q_v, keys_hbm.at[pl.ds(wid * SLOTS_PER_W, SLOTS_PER_W)])
    pltpu.sync_copy(v_v, vals_hbm.at[pl.ds(wid * SLOTS_PER_W, SLOTS_PER_W)])


def _sc_compact(qpad, vpad, srcrows):
    sc_call = functools.partial(
        pl.kernel,
        mesh=plsc.VectorSubcoreMesh(core_axis_name="c", subcore_axis_name="s"),
        out_type=[
            jax.ShapeDtypeStruct((MAX_SLOTS, D_KEY), jnp.float32),
            jax.ShapeDtypeStruct((MAX_SLOTS, D_VAL), jnp.float32),
        ],
        scratch_types=[
            pltpu.VMEM((SLOTS_PER_W,), jnp.int32),
            pltpu.VMEM((SLOTS_PER_W, D_KEY), jnp.float32),
            pltpu.VMEM((SLOTS_PER_W, D_VAL), jnp.float32),
            pltpu.SemaphoreType.DMA,
            pltpu.SemaphoreType.DMA,
        ],
    )(_sc_compact_body)
    return sc_call(qpad, vpad, srcrows)


def _lstm_step(x, h, c, wih, whh, b):
    gates = (jnp.dot(x, wih, preferred_element_type=jnp.float32)
             + jnp.dot(h, whh, preferred_element_type=jnp.float32) + b)
    i = jnp.tanh(gates[:, :HIDDEN]) * 0.5 + 0.5
    f = jnp.tanh(gates[:, HIDDEN:2 * HIDDEN]) * 0.5 + 0.5
    g = jnp.tanh(gates[:, 2 * HIDDEN:3 * HIDDEN])
    o = jnp.tanh(gates[:, 3 * HIDDEN:]) * 0.5 + 0.5
    c = f * c + i * g
    h = o * jnp.tanh(c)
    return h, c


def _lstm_read_kernel(x_ref, wih_ref, whh_ref, b_ref, xlast_ref, keys_ref,
                      vals_ref, maskrow_ref, wkpT_ref, bkp_ref, woh_ref,
                      woc_ref, bout_ref, out_ref, h_ref, c_ref):
    j = pl.program_id(0)

    @pl.when(j == 0)
    def _():
        h_ref[...] = jnp.zeros_like(h_ref)
        c_ref[...] = jnp.zeros_like(c_ref)

    h = h_ref[...]
    c = c_ref[...]
    wih = wih_ref[...]
    whh = whh_ref[...]
    b = b_ref[...]
    for k in range(TB):
        h, c = _lstm_step(x_ref[:, k, :], h, c, wih, whh, b)
    h_ref[...] = h
    c_ref[...] = c

    @pl.when(j == NB - 1)
    def _():
        xlast = xlast_ref[...]
        final_h, _ = _lstm_step(xlast, h, c, wih, whh, b)
        q = (jnp.dot(xlast[:, :KEY_DIM], wkpT_ref[...],
                     preferred_element_type=jnp.float32) + bkp_ref[...])
        qn = q / (jnp.sqrt(jnp.sum(q * q, axis=1, keepdims=True)) + 1e-8)
        kk = keys_ref[...]
        kn = kk / (jnp.sqrt(jnp.sum(kk * kk, axis=1, keepdims=True)) + 1e-8)
        sim = jax.lax.dot_general(
            qn, kn, (((1,), (1,)), ((), ())),
            preferred_element_type=jnp.float32)
        active = maskrow_ref[...] > 0
        logits = jnp.where(active, sim / TEMP, -1e9)
        m = jnp.max(logits, axis=1, keepdims=True)
        e = jnp.exp(logits - m)
        attn = e / jnp.sum(e, axis=1, keepdims=True)
        attn = attn * active.astype(jnp.float32)
        denom = jnp.sum(attn, axis=1, keepdims=True)
        attn = attn / jnp.where(denom > 0, denom, 1.0)
        ctx = jnp.dot(attn, vals_ref[...],
                      preferred_element_type=jnp.float32)
        out_ref[...] = (jnp.dot(final_h, woh_ref[...],
                                preferred_element_type=jnp.float32)
                        + jnp.dot(ctx, woc_ref[...],
                                  preferred_element_type=jnp.float32)
                        + bout_ref[...])


def kernel(inputs, W_ih, W_hh, b_ih, b_hh, W_kp, b_kp, W_out, b_out):
    wkpT = W_kp.T
    bkp = b_kp.reshape(1, -1)

    x0 = inputs[0, :NW, :]
    qpad, vpad, srcrowf, maskrow = pl.pallas_call(
        _prep_kernel,
        out_shape=[
            jax.ShapeDtypeStruct((NPAD, D_KEY), jnp.float32),
            jax.ShapeDtypeStruct((NPAD, D_VAL), jnp.float32),
            jax.ShapeDtypeStruct((1, MAX_SLOTS), jnp.float32),
            jax.ShapeDtypeStruct((1, MAX_SLOTS), jnp.float32),
        ],
    )(x0, wkpT, bkp)
    srcrows = srcrowf.reshape(NWORK, SLOTS_PER_W).astype(jnp.int32)

    gsc = jnp.concatenate([
        jnp.full((2 * HIDDEN,), 0.5, jnp.float32),
        jnp.ones((HIDDEN,), jnp.float32),
        jnp.full((HIDDEN,), 0.5, jnp.float32)])
    wihT = W_ih.T * gsc
    whhT = W_hh.T * gsc
    b2 = ((b_ih + b_hh) * gsc).reshape(1, -1)
    keys, values = _sc_compact(qpad, vpad, srcrows)

    xlast = inputs[:, T - 1, :]
    woT = W_out.T
    cmap = lambda j: (0, 0)
    out = pl.pallas_call(
        _lstm_read_kernel,
        grid=(NB,),
        in_specs=[
            pl.BlockSpec((B, TB, INPUT_DIM), lambda j: (0, j, 0)),
            pl.BlockSpec((INPUT_DIM, 4 * HIDDEN), cmap),
            pl.BlockSpec((HIDDEN, 4 * HIDDEN), cmap),
            pl.BlockSpec((1, 4 * HIDDEN), cmap),
            pl.BlockSpec((B, INPUT_DIM), cmap),
            pl.BlockSpec((MAX_SLOTS, D_KEY), cmap),
            pl.BlockSpec((MAX_SLOTS, D_VAL), cmap),
            pl.BlockSpec((1, MAX_SLOTS), cmap),
            pl.BlockSpec((KEY_DIM, D_KEY), cmap),
            pl.BlockSpec((1, D_KEY), cmap),
            pl.BlockSpec((HIDDEN, OUT_DIM), cmap),
            pl.BlockSpec((D_VAL, OUT_DIM), cmap),
            pl.BlockSpec((1, OUT_DIM), cmap),
        ],
        out_specs=pl.BlockSpec((B, OUT_DIM), cmap),
        out_shape=jax.ShapeDtypeStruct((B, OUT_DIM), jnp.float32),
        scratch_shapes=[
            pltpu.VMEM((B, HIDDEN), jnp.float32),
            pltpu.VMEM((B, HIDDEN), jnp.float32),
        ],
    )(inputs, wihT, whhT, b2, xlast, keys, values, maskrow,
      wkpT, bkp, woT[:HIDDEN], woT[HIDDEN:], b_out.reshape(1, -1))
    return out

# --- scband reference (transcript-rebuilt; emitter-appended) ---
"""Pipeline reference for scband-adaptive-model-v3-33157147525663 (READ-ONLY COPY).

The authoritative reference and input builder live on the scoring server;
editing this copy changes nothing except your own understanding.
"""

import jax, jax.numpy as jnp
import numpy as np

B = 512
T = 201
INPUT_DIM = 256
HIDDEN = 256
OUT_DIM = 128
KEY_DIM = 128
D_KEY = 128
D_VAL = 128
MAX_SLOTS = 512
TEMP = 0.1


def setup_inputs(seed: int = 0):
    key = jax.random.key(seed)
    ks = jax.random.split(key, 10)
    inputs = jax.random.normal(ks[0], (B, T, INPUT_DIM), dtype=jnp.float32)
    s = 1.0 / np.sqrt(HIDDEN)
    W_ih = jax.random.uniform(ks[1], (4 * HIDDEN, INPUT_DIM), minval=-s, maxval=s, dtype=jnp.float32)
    W_hh = jax.random.uniform(ks[2], (4 * HIDDEN, HIDDEN), minval=-s, maxval=s, dtype=jnp.float32)
    b_ih = jax.random.uniform(ks[3], (4 * HIDDEN,), minval=-s, maxval=s, dtype=jnp.float32)
    b_hh = jax.random.uniform(ks[4], (4 * HIDDEN,), minval=-s, maxval=s, dtype=jnp.float32)
    sk = 1.0 / np.sqrt(KEY_DIM)
    W_kp = jax.random.uniform(ks[5], (D_KEY, KEY_DIM), minval=-sk, maxval=sk, dtype=jnp.float32)
    b_kp = jax.random.uniform(ks[6], (D_KEY,), minval=-sk, maxval=sk, dtype=jnp.float32)
    so = 1.0 / np.sqrt(HIDDEN + D_VAL)
    W_out = jax.random.uniform(ks[7], (OUT_DIM, HIDDEN + D_VAL), minval=-so, maxval=so, dtype=jnp.float32)
    b_out = jax.random.uniform(ks[8], (OUT_DIM,), minval=-so, maxval=so, dtype=jnp.float32)
    return {"inputs": inputs, "W_ih": W_ih, "W_hh": W_hh, "b_ih": b_ih, "b_hh": b_hh,
            "W_kp": W_kp, "b_kp": b_kp, "W_out": W_out, "b_out": b_out}


def _lstm_final_h(inputs, W_ih, W_hh, b_ih, b_hh):
    def step(carry, x_t):
        h, c = carry
        gates = x_t @ W_ih.T + b_ih + h @ W_hh.T + b_hh
        i, f, g, o = jnp.split(gates, 4, axis=-1)
        i = jax.nn.sigmoid(i)
        f = jax.nn.sigmoid(f)
        g = jnp.tanh(g)
        o = jax.nn.sigmoid(o)
        c = f * c + i * g
        h = o * jnp.tanh(c)
        return (h, c), None
    h0 = jnp.zeros((inputs.shape[0], HIDDEN), dtype=inputs.dtype)
    c0 = jnp.zeros((inputs.shape[0], HIDDEN), dtype=inputs.dtype)
    (h, c), _ = jax.lax.scan(step, (h0, c0), jnp.swapaxes(inputs, 0, 1))
    return h


def _memory_read(x, keys, values, active_mask, W_kp, b_kp):
    # key-projection + cosine-similarity softmax addressing over active slots
    query = x @ W_kp.T + b_kp
    qn = query / (jnp.linalg.norm(query, axis=-1, keepdims=True) + 1e-8)
    kn = keys / (jnp.linalg.norm(keys, axis=-1, keepdims=True) + 1e-8)
    sim = qn @ kn.T
    logits = jnp.where(active_mask[None, :], sim / TEMP, -1e9)
    attn = jax.nn.softmax(logits, axis=-1)
    attn = attn * active_mask[None, :].astype(attn.dtype)
    denom = jnp.sum(attn, axis=-1, keepdims=True)
    attn = attn / jnp.where(denom > 0, denom, 1.0)
    ctx = attn @ values
    return query, attn, ctx


def _write_support_pairs(inputs, W_kp, b_kp):
    # episodic no-grad write of support pairs from sample 0 into fresh slots
    keys0 = jnp.zeros((MAX_SLOTS, D_KEY), dtype=jnp.float32)
    vals0 = jnp.zeros((MAX_SLOTS, D_VAL), dtype=jnp.float32)
    mask0 = jnp.zeros((MAX_SLOTS,), dtype=bool)
    xs = inputs[0, :-1, :]

    def step(carry, x_t):
        keys, values, mask, n = carry
        key_part = x_t[:KEY_DIM]
        val_part = x_t[KEY_DIM:]
        do_write = (jnp.sum(val_part) >= 0.5) & (n < MAX_SLOTS)
        query = key_part @ W_kp.T + b_kp
        slot = jnp.minimum(n, MAX_SLOTS - 1)
        keys = keys.at[slot].set(jnp.where(do_write, query, keys[slot]))
        values = values.at[slot].set(jnp.where(do_write, val_part, values[slot]))
        mask = mask.at[slot].set(mask[slot] | do_write)
        n = n + do_write.astype(jnp.int32)
        return (keys, values, mask, n), None

    (keys, values, mask, n), _ = jax.lax.scan(step, (keys0, vals0, mask0, jnp.int32(0)), xs)
    return keys, values, mask


def reference(inputs, W_ih, W_hh, b_ih, b_hh, W_kp, b_kp, W_out, b_out):
    # memory writes are teacher-forced (no_grad in torch) -> stop_gradient
    keys, values, active_mask = _write_support_pairs(
        jax.lax.stop_gradient(inputs),
        jax.lax.stop_gradient(W_kp),
        jax.lax.stop_gradient(b_kp))
    keys = jax.lax.stop_gradient(keys)
    values = jax.lax.stop_gradient(values)
    final_h = _lstm_final_h(inputs, W_ih, W_hh, b_ih, b_hh)
    concept_query = inputs[:, -1, :KEY_DIM]
    _, _, ctx = _memory_read(concept_query, keys, values, active_mask, W_kp, b_kp)
    combined = jnp.concatenate([final_h, ctx], axis=-1)
    return combined @ W_out.T + b_out

if __name__ == "__main__":
    import jax
    _d = setup_inputs()
    print(jax.jit(kernel)(*tuple(_d.values())))

</pallas_src>

<mosaic_0001>
#map = affine_map<(d0, d1) -> (0, 0)>
module attributes {stable_mosaic.version = 14 : i64} {
  func.func @_sc_compact_body(%arg0: i32, %arg1: i32, %arg2: memref<208x128xf32, #tpu.memory_space<hbm>>, %arg3: memref<208x128xf32, #tpu.memory_space<hbm>>, %arg4: memref<32x16xi32, #tpu.memory_space<hbm>>, %arg5: memref<512x128xf32, #tpu.memory_space<hbm>>, %arg6: memref<512x128xf32, #tpu.memory_space<hbm>>, %arg7: memref<16xi32, #tpu.memory_space<vmem>>, %arg8: memref<16x128xf32, #tpu.memory_space<vmem>>, %arg9: memref<16x128xf32, #tpu.memory_space<vmem>>, %arg10: memref<!tpu.dma_semaphore, #tpu.memory_space<semaphore_mem>>, %arg11: memref<!tpu.dma_semaphore, #tpu.memory_space<semaphore_mem>>) attributes {dimension_semantics = [#tpu.dimension_semantics<core_parallel>, #tpu.dimension_semantics<subcore_parallel>], iteration_bounds = array<i64: 2, 16>, scalar_prefetch = 0 : i64, scratch_operands = 5 : i64, tpu.core_type = #tpu.core_type<sc_vector_subcore>, window_params = [{transform_indices = #map}, {transform_indices = #map}, {transform_indices = #map}, {transform_indices = #map}, {transform_indices = #map}]} {
    %mul3A = arith.constant 2 : i32
    %mul3A_0 = arith.muli %arg1, %mul3A : i32
    %add3A = arith.addi %mul3A_0, %arg0 : i32
    "tpu.region"() ({
      %run_scoped3A = tpu.sem_alloc : memref<!tpu.dma_semaphore, #tpu.memory_space<semaphore_mem>>
      %dma_start3A_15 = arith.constant 0 : i32
      %dma_start3A_16 = tpu.memref_slice %arg4[%add3A, %dma_start3A_15] : memref<32x16xi32, #tpu.memory_space<hbm>> -> memref<1x16xi32, #tpu.memory_space<hbm>>
      %dma_start3A_17 = tpu.memref_squeeze %dma_start3A_16 : memref<1x16xi32, #tpu.memory_space<hbm>> -> memref<16xi32, #tpu.memory_space<hbm>>
      %dma_start3A_18 = arith.constant 0 : i32
      %dma_start3A_19 = tpu.memref_slice %arg4[%add3A, %dma_start3A_18] : memref<32x16xi32, #tpu.memory_space<hbm>> -> memref<1x16xi32, #tpu.memory_space<hbm>>
      %dma_start3A_20 = tpu.memref_squeeze %dma_start3A_19 : memref<1x16xi32, #tpu.memory_space<hbm>> -> memref<16xi32, #tpu.memory_space<hbm>>
      tpu.enqueue_dma source(%dma_start3A_20 : memref<16xi32, #tpu.memory_space<hbm>>) target(%arg7 : memref<16xi32, #tpu.memory_space<vmem>>) target_semaphore(%run_scoped3A : memref<!tpu.dma_semaphore, #tpu.memory_space<semaphore_mem>>)
      %dma_wait3A_21 = arith.constant 0 : i32
      %dma_wait3A_22 = tpu.memref_slice %arg4[%add3A, %dma_wait3A_21] : memref<32x16xi32, #tpu.memory_space<hbm>> -> memref<1x16xi32, #tpu.memory_space<hbm>>
      %dma_wait3A_23 = tpu.memref_squeeze %dma_wait3A_22 : memref<1x16xi32, #tpu.memory_space<hbm>> -> memref<16xi32, #tpu.memory_space<hbm>>
      %dma_wait3A_24 = arith.constant 0 : i32
      %dma_wait3A_25 = tpu.memref_slice %arg4[%add3A, %dma_wait3A_24] : memref<32x16xi32, #tpu.memory_space<hbm>> -> memref<1x16xi32, #tpu.memory_space<hbm>>
      %dma_wait3A_26 = tpu.memref_squeeze %dma_wait3A_25 : memref<1x16xi32, #tpu.memory_space<hbm>> -> memref<16xi32, #tpu.memory_space<hbm>>
      tpu.wait_dma2 semaphore(%run_scoped3A : memref<!tpu.dma_semaphore, #tpu.memory_space<semaphore_mem>>) src(%dma_wait3A_26 : memref<16xi32, #tpu.memory_space<hbm>>) dst(%arg7 : memref<16xi32, #tpu.memory_space<vmem>>)
      tpu.yield
    }) : () -> ()
    %dma_start3A = arith.constant 0 : i32
    %dma_start3A_1 = arith.constant 0 : i32
    %dma_start3A_2 = tpu.memref_slice %arg2[%dma_start3A, %dma_start3A_1] : memref<208x128xf32, #tpu.memory_space<hbm>> -> memref<208x128xf32, #tpu.memory_space<hbm>>
    tpu.enqueue_indirect_dma source(%dma_start3A_2 : memref<208x128xf32, #tpu.memory_space<hbm>>) target(%arg8 : memref<16x128xf32, #tpu.memory_space<vmem>>) offsets(%arg7 : memref<16xi32, #tpu.memory_space<vmem>>) semaphore(%arg10 : memref<!tpu.dma_semaphore, #tpu.memory_space<semaphore_mem>>)
    %dma_start3A_3 = arith.constant 0 : i32
    %dma_start3A_4 = arith.constant 0 : i32
    %dma_start3A_5 = tpu.memref_slice %arg3[%dma_start3A_3, %dma_start3A_4] : memref<208x128xf32, #tpu.memory_space<hbm>> -> memref<208x128xf32, #tpu.memory_space<hbm>>
    tpu.enqueue_indirect_dma source(%dma_start3A_5 : memref<208x128xf32, #tpu.memory_space<hbm>>) target(%arg9 : memref<16x128xf32, #tpu.memory_space<vmem>>) offsets(%arg7 : memref<16xi32, #tpu.memory_space<vmem>>) semaphore(%arg11 : memref<!tpu.dma_semaphore, #tpu.memory_space<semaphore_mem>>)
    %dma_wait3A = arith.constant 0 : i32
    %dma_wait3A_6 = arith.constant 0 : i32
    %dma_wait3A_7 = tpu.memref_slice %arg2[%dma_wait3A, %dma_wait3A_6] : memref<208x128xf32, #tpu.memory_space<hbm>> -> memref<208x128xf32, #tpu.memory_space<hbm>>
    tpu.wait_indirect_dma semaphore(%arg10 : memref<!tpu.dma_semaphore, #tpu.memory_space<semaphore_mem>>) src(%dma_wait3A_7 : memref<208x128xf32, #tpu.memory_space<hbm>>) dst(%arg8 : memref<16x128xf32, #tpu.memory_space<vmem>>)
    %dma_wait3A_8 = arith.constant 0 : i32
    %dma_wait3A_9 = arith.constant 0 : i32
    %dma_wait3A_10 = tpu.memref_slice %arg3[%dma_wait3A_8, %dma_wait3A_9] : memref<208x128xf32, #tpu.memory_space<hbm>> -> memref<208x128xf32, #tpu.memory_space<hbm>>
    tpu.wait_indirect_dma semaphore(%arg11 : memref<!tpu.dma_semaphore, #tpu.memory_space<semaphore_mem>>) src(%dma_wait3A_10 : memref<208x128xf32, #tpu.memory_space<hbm>>) dst(%arg9 : memref<16x128xf32, #tpu.memory_space<vmem>>)
    %mul3A_11 = arith.constant 16 : i32
    %mul3A_12 = arith.muli %add3A, %mul3A_11 : i32
    "tpu.region"() ({
      %run_scoped3A = tpu.sem_alloc : memref<!tpu.dma_semaphore, #tpu.memory_space<semaphore_mem>>
      %dma_start3A_15 = arith.constant 0 : i32
      %dma_start3A_16 = tpu.memref_slice %arg5[%mul3A_12, %dma_start3A_15] : memref<512x128xf32, #tpu.memory_space<hbm>> -> memref<16x128xf32, #tpu.memory_space<hbm>>
      %dma_start3A_17 = arith.constant 0 : i32
      %dma_start3A_18 = tpu.memref_slice %arg5[%mul3A_12, %dma_start3A_17] : memref<512x128xf32, #tpu.memory_space<hbm>> -> memref<16x128xf32, #tpu.memory_space<hbm>>
      tpu.enqueue_dma source(%arg8 : memref<16x128xf32, #tpu.memory_space<vmem>>) target(%dma_start3A_18 : memref<16x128xf32, #tpu.memory_space<hbm>>) target_semaphore(%run_scoped3A : memref<!tpu.dma_semaphore, #tpu.memory_space<semaphore_mem>>)
      %dma_wait3A_19 = arith.constant 0 : i32
      %dma_wait3A_20 = tpu.memref_slice %arg5[%mul3A_12, %dma_wait3A_19] : memref<512x128xf32, #tpu.memory_space<hbm>> -> memref<16x128xf32, #tpu.memory_space<hbm>>
      %dma_wait3A_21 = arith.constant 0 : i32
      %dma_wait3A_22 = tpu.memref_slice %arg5[%mul3A_12, %dma_wait3A_21] : memref<512x128xf32, #tpu.memory_space<hbm>> -> memref<16x128xf32, #tpu.memory_space<hbm>>
      tpu.wait_dma2 semaphore(%run_scoped3A : memref<!tpu.dma_semaphore, #tpu.memory_space<semaphore_mem>>) src(%arg8 : memref<16x128xf32, #tpu.memory_space<vmem>>) dst(%dma_wait3A_22 : memref<16x128xf32, #tpu.memory_space<hbm>>)
      tpu.yield
    }) : () -> ()
    %mul3A_13 = arith.constant 16 : i32
    %mul3A_14 = arith.muli %add3A, %mul3A_13 : i32
    "tpu.region"() ({
      %run_scoped3A = tpu.sem_alloc : memref<!tpu.dma_semaphore, #tpu.memory_space<semaphore_mem>>
      %dma_start3A_15 = arith.constant 0 : i32
      %dma_start3A_16 = tpu.memref_slice %arg6[%mul3A_14, %dma_start3A_15] : memref<512x128xf32, #tpu.memory_space<hbm>> -> memref<16x128xf32, #tpu.memory_space<hbm>>
      %dma_start3A_17 = arith.constant 0 : i32
      %dma_start3A_18 = tpu.memref_slice %arg6[%mul3A_14, %dma_start3A_17] : memref<512x128xf32, #tpu.memory_space<hbm>> -> memref<16x128xf32, #tpu.memory_space<hbm>>
      tpu.enqueue_dma source(%arg9 : memref<16x128xf32, #tpu.memory_space<vmem>>) target(%dma_start3A_18 : memref<16x128xf32, #tpu.memory_space<hbm>>) target_semaphore(%run_scoped3A : memref<!tpu.dma_semaphore, #tpu.memory_space<semaphore_mem>>)
      %dma_wait3A_19 = arith.constant 0 : i32
      %dma_wait3A_20 = tpu.memref_slice %arg6[%mul3A_14, %dma_wait3A_19] : memref<512x128xf32, #tpu.memory_space<hbm>> -> memref<16x128xf32, #tpu.memory_space<hbm>>
      %dma_wait3A_21 = arith.constant 0 : i32
      %dma_wait3A_22 = tpu.memref_slice %arg6[%mul3A_14, %dma_wait3A_21] : memref<512x128xf32, #tpu.memory_space<hbm>> -> memref<16x128xf32, #tpu.memory_space<hbm>>
      tpu.wait_dma2 semaphore(%run_scoped3A : memref<!tpu.dma_semaphore, #tpu.memory_space<semaphore_mem>>) src(%arg9 : memref<16x128xf32, #tpu.memory_space<vmem>>) dst(%dma_wait3A_22 : memref<16x128xf32, #tpu.memory_space<hbm>>)
      tpu.yield
    }) : () -> ()
    return
  }
}

module attributes {stable_mosaic.version = 14 : i64} {
  func.func @_prep_kernel(%arg0: memref<200x256xf32, #tpu.memory_space<vmem>>, %arg1: memref<128x128xf32, #tpu.memory_space<vmem>>, %arg2: memref<1x128xf32, #tpu.memory_space<vmem>>, %arg3: memref<208x128xf32, #tpu.memory_space<vmem>>, %arg4: memref<208x128xf32, #tpu.memory_space<vmem>>, %arg5: memref<1x512xf32, #tpu.memory_space<vmem>>, %arg6: memref<1x512xf32, #tpu.memory_space<vmem>>) attributes {dimension_semantics = [], scalar_prefetch = 0 : i64, scratch_operands = 0 : i64, tpu.core_type = #tpu.core_type<tc>} {
    %get3A = arith.constant 0 : index
    %get3A_0 = arith.constant 0 : index
    %get3A_1 = vector.load %arg0[%get3A, %get3A_0] : memref<200x256xf32, #tpu.memory_space<vmem>>, vector<200x256xf32>
    %slice3A = vector.extract_strided_slice %get3A_1 {offsets = [0, 128], sizes = [200, 128], strides = [1, 1]} : vector<200x256xf32> to vector<200x128xf32>
    %reduce_sum3A = arith.constant dense<0.000000e+00> : vector<200xf32>
    %reduce_sum3A_2 = vector.multi_reduction <add>, %slice3A, %reduce_sum3A [1] : vector<200x128xf32> to vector<200xf32>
    %broadcast_in_dim3A = vector.shape_cast %reduce_sum3A_2 : vector<200xf32> to vector<200x1xf32>
    %ge3A = arith.constant 5.000000e-01 : f32
    %ge3A_3 = vector.broadcast %ge3A : f32 to vector<200x1xf32>
    %ge3A_4 = arith.cmpf oge, %broadcast_in_dim3A, %ge3A_3 : vector<200x1xf32>
    %convert_element_type3A = arith.extui %ge3A_4 : vector<200x1xi1> to vector<200x1xi32>
    %convert_element_type3A_5 = arith.sitofp %convert_element_type3A : vector<200x1xi32> to vector<200x1xf32>
    %iota3A = tpu.iota {dimensions = array<i32: 0>} : vector<200x200xi32>
    %iota3A_6 = tpu.iota {dimensions = array<i32: 1>} : vector<200x200xi32>
    %lt3A = arith.cmpi slt, %iota3A_6, %iota3A : vector<200x200xi32>
    %convert_element_type3A_7 = arith.extui %lt3A : vector<200x200xi1> to vector<200x200xi32>
    %convert_element_type3A_8 = arith.sitofp %convert_element_type3A_7 : vector<200x200xi32> to vector<200x200xf32>
    %dot_general3A = arith.constant dense<0.000000e+00> : vector<200x1xf32>
    %dot_general3A_9 = tpu.matmul %convert_element_type3A_8, %convert_element_type3A_5, %dot_general3A {dimension_numbers = #tpu.dot_dimension_numbers<[1], [0], [0], [1], [0, 0, 1, 1], [], []>, transpose_lhs_hint = false} : vector<200x200xf32>, vector<200x1xf32>, vector<200x1xf32> -> vector<200x1xf32>
    %convert_element_type3A_10 = arith.fptosi %dot_general3A_9 : vector<200x1xf32> to vector<200x1xi32>
    %slice3A_11 = vector.extract_strided_slice %get3A_1 {offsets = [0, 0], sizes = [200, 128], strides = [1, 1]} : vector<200x256xf32> to vector<200x128xf32>
    %get3A_12 = arith.constant 0 : index
    %get3A_13 = arith.constant 0 : index
    %get3A_14 = vector.load %arg1[%get3A_12, %get3A_13] : memref<128x128xf32, #tpu.memory_space<vmem>>, vector<128x128xf32>
    %dot_general3A_15 = arith.constant dense<0.000000e+00> : vector<200x128xf32>
    %dot_general3A_16 = tpu.matmul %slice3A_11, %get3A_14, %dot_general3A_15 {dimension_numbers = #tpu.dot_dimension_numbers<[1], [0], [0], [1], [0, 0, 1, 1], [], []>, transpose_lhs_hint = false} : vector<200x128xf32>, vector<128x128xf32>, vector<200x128xf32> -> vector<200x128xf32>
    %get3A_17 = arith.constant 0 : index
    %get3A_18 = arith.constant 0 : index
    %get3A_19 = vector.load %arg2[%get3A_17, %get3A_18] : memref<1x128xf32, #tpu.memory_space<vmem>>, vector<1x128xf32>
    %add3A = vector.broadcast %get3A_19 : vector<1x128xf32> to vector<200x128xf32>
    %add3A_20 = arith.addf %dot_general3A_16, %add3A : vector<200x128xf32>
    %iota3A_21 = tpu.iota {dimensions = array<i32: 1>} : vector<200x512xi32>
    %eq3A = vector.broadcast %convert_element_type3A_10 : vector<200x1xi32> to vector<200x512xi32>
    %eq3A_22 = arith.cmpi eq, %iota3A_21, %eq3A : vector<200x512xi32>
    %and3A = vector.broadcast %ge3A_4 : vector<200x1xi1> to vector<200x512xi1>
    %and3A_23 = arith.andi %eq3A_22, %and3A : vector<200x512xi1>
    %convert_element_type3A_24 = arith.extui %and3A_23 : vector<200x512xi1> to vector<200x512xi32>
    %convert_element_type3A_25 = arith.sitofp %convert_element_type3A_24 : vector<200x512xi32> to vector<200x512xf32>
    %reduce_sum3A_26 = arith.constant dense<0.000000e+00> : vector<512xf32>
    %reduce_sum3A_27 = vector.multi_reduction <add>, %convert_element_type3A_25, %reduce_sum3A_26 [0] : vector<200x512xf32> to vector<512xf32>
    %broadcast_in_dim3A_28 = vector.shape_cast %reduce_sum3A_27 : vector<512xf32> to vector<1x512xf32>
    %iota3A_29 = tpu.iota {dimensions = array<i32: 0>} : vector<200x1xi32>
    %convert_element_type3A_30 = arith.sitofp %iota3A_29 : vector<200x1xi32> to vector<200x1xf32>
    %dot_general3A_31 = arith.constant dense<0.000000e+00> : vector<1x512xf32>
    %dot_general3A_32 = tpu.matmul %convert_element_type3A_30, %convert_element_type3A_25, %dot_general3A_31 {dimension_numbers = #tpu.dot_dimension_numbers<[0], [0], [1], [1], [0, 1, 1, 1], [], []>, transpose_lhs_hint = false} : vector<200x1xf32>, vector<200x512xf32>, vector<1x512xf32> -> vector<1x512xf32>
    %sub3A = arith.constant 1.000000e+00 : f32
    %sub3A_33 = vector.broadcast %sub3A : f32 to vector<1x512xf32>
    %sub3A_34 = arith.subf %sub3A_33, %broadcast_in_dim3A_28 : vector<1x512xf32>
    %mul3A = arith.constant 2.070000e+02 : f32
    %mul3A_35 = vector.broadcast %mul3A : f32 to vector<1x512xf32>
    %mul3A_36 = arith.mulf %sub3A_34, %mul3A_35 : vector<1x512xf32>
    %add3A_37 = arith.addf %dot_general3A_32, %mul3A_36 : vector<1x512xf32>
    %swap3A = arith.constant 0 : index
    %swap3A_38 = arith.constant 0 : index
    %swap3A_39 = vector.load %arg5[%swap3A, %swap3A_38] : memref<1x512xf32, #tpu.memory_space<vmem>>, vector<1x512xf32>
    tpu.vector_store %arg5[%swap3A, %swap3A_38], %add3A_37 {strides = array<i32>} : memref<1x512xf32, #tpu.memory_space<vmem>>, vector<1x512xf32>,
    %swap3A_40 = arith.constant 0 : index
    %swap3A_41 = arith.constant 0 : index
    %swap3A_42 = vector.load %arg6[%swap3A_40, %swap3A_41] : memref<1x512xf32, #tpu.memory_space<vmem>>, vector<1x512xf32>
    tpu.vector_store %arg6[%swap3A_40, %swap3A_41], %broadcast_in_dim3A_28 {strides = array<i32>} : memref<1x512xf32, #tpu.memory_space<vmem>>, vector<1x512xf32>,
    %broadcast_in_dim3A_43 = arith.constant 0.000000e+00 : f32
    %broadcast_in_dim3A_44 = vector.broadcast %broadcast_in_dim3A_43 : f32 to vector<208x128xf32>
    %swap3A_45 = arith.constant 0 : index
    %swap3A_46 = arith.constant 0 : index
    %swap3A_47 = vector.load %arg3[%swap3A_45, %swap3A_46] : memref<208x128xf32, #tpu.memory_space<vmem>>, vector<208x128xf32>
    tpu.vector_store %arg3[%swap3A_45, %swap3A_46], %broadcast_in_dim3A_44 {strides = array<i32>} : memref<208x128xf32, #tpu.memory_space<vmem>>, vector<208x128xf32>,
    %broadcast_in_dim3A_48 = arith.constant 0.000000e+00 : f32
    %broadcast_in_dim3A_49 = vector.broadcast %broadcast_in_dim3A_48 : f32 to vector<208x128xf32>
    %swap3A_50 = arith.constant 0 : index
    %swap3A_51 = arith.constant 0 : index
    %swap3A_52 = vector.load %arg4[%swap3A_50, %swap3A_51] : memref<208x128xf32, #tpu.memory_space<vmem>>, vector<208x128xf32>
    tpu.vector_store %arg4[%swap3A_50, %swap3A_51], %broadcast_in_dim3A_49 {strides = array<i32>} : memref<208x128xf32, #tpu.memory_space<vmem>>, vector<208x128xf32>,
    %swap3A_53 = arith.constant 0 : index
    %swap3A_54 = arith.constant 0 : index
    %swap3A_55 = vector.load %arg3[%swap3A_53, %swap3A_54] : memref<208x128xf32, #tpu.memory_space<vmem>>, vector<200x128xf32>
    tpu.vector_store %arg3[%swap3A_53, %swap3A_54], %add3A_20 {strides = array<i32>} : memref<208x128xf32, #tpu.memory_space<vmem>>, vector<200x128xf32>,
    %swap3A_56 = arith.constant 0 : index
    %swap3A_57 = arith.constant 0 : index
    %swap3A_58 = vector.load %arg4[%swap3A_56, %swap3A_57] : memref<208x128xf32, #tpu.memory_space<vmem>>, vector<200x128xf32>
    tpu.vector_store %arg4[%swap3A_56, %swap3A_57], %slice3A {strides = array<i32>} : memref<208x128xf32, #tpu.memory_space<vmem>>, vector<200x128xf32>,
    return
  }
}

module attributes {stable_mosaic.version = 14 : i64} {
  func.func @_lstm_read_kernel(%arg0: i32, %arg1: memref<512x8x256xf32, #tpu.memory_space<vmem>>, %arg2: memref<256x1024xf32, #tpu.memory_space<vmem>>, %arg3: memref<256x1024xf32, #tpu.memory_space<vmem>>, %arg4: memref<1x1024xf32, #tpu.memory_space<vmem>>, %arg5: memref<512x256xf32, #tpu.memory_space<vmem>>, %arg6: memref<512x128xf32, #tpu.memory_space<vmem>>, %arg7: memref<512x128xf32, #tpu.memory_space<vmem>>, %arg8: memref<1x512xf32, #tpu.memory_space<vmem>>, %arg9: memref<128x128xf32, #tpu.memory_space<vmem>>, %arg10: memref<1x128xf32, #tpu.memory_space<vmem>>, %arg11: memref<256x128xf32, #tpu.memory_space<vmem>>, %arg12: memref<128x128xf32, #tpu.memory_space<vmem>>, %arg13: memref<1x128xf32, #tpu.memory_space<vmem>>, %arg14: memref<512x128xf32, #tpu.memory_space<vmem>>, %arg15: memref<512x256xf32, #tpu.memory_space<vmem>>, %arg16: memref<512x256xf32, #tpu.memory_space<vmem>>) attributes {dimension_semantics = [#tpu.dimension_semantics<arbitrary>], iteration_bounds = array<i64: 25>, scalar_prefetch = 0 : i64, scratch_operands = 2 : i64, tpu.core_type = #tpu.core_type<tc>, window_params = [{transform_indices = @transform_0, window_bounds = array<i64: 512, 8, 256>}, {pipeline_mode = #tpu.pipeline_mode<synchronous>, transform_indices = @transform_1, window_bounds = array<i64: 256, 1024>}, {pipeline_mode = #tpu.pipeline_mode<synchronous>, transform_indices = @transform_2, window_bounds = array<i64: 256, 1024>}, {pipeline_mode = #tpu.pipeline_mode<synchronous>, transform_indices = @transform_3, window_bounds = array<i64: 1, 1024>}, {pipeline_mode = #tpu.pipeline_mode<synchronous>, transform_indices = @transform_4, window_bounds = array<i64: 512, 256>}, {pipeline_mode = #tpu.pipeline_mode<synchronous>, transform_indices = @transform_5, window_bounds = array<i64: 512, 128>}, {pipeline_mode = #tpu.pipeline_mode<synchronous>, transform_indices = @transform_6, window_bounds = array<i64: 512, 128>}, {pipeline_mode = #tpu.pipeline_mode<synchronous>, transform_indices = @transform_7, window_bounds = array<i64: 1, 512>}, {pipeline_mode = #tpu.pipeline_mode<synchronous>, transform_indices = @transform_8, window_bounds = array<i64: 128, 128>}, {pipeline_mode = #tpu.pipeline_mode<synchronous>, transform_indices = @transform_9, window_bounds = array<i64: 1, 128>}, {pipeline_mode = #tpu.pipeline_mode<synchronous>, transform_indices = @transform_10, window_bounds = array<i64: 256, 128>}, {pipeline_mode = #tpu.pipeline_mode<synchronous>, transform_indices = @transform_11, window_bounds = array<i64: 128, 128>}, {pipeline_mode = #tpu.pipeline_mode<synchronous>, transform_indices = @transform_12, window_bounds = array<i64: 1, 128>}, {pipeline_mode = #tpu.pipeline_mode<synchronous>, transform_indices = @transform_13, window_bounds = array<i64: 512, 128>}]} {
    %eq3A = arith.constant 0 : i32
    %eq3A_0 = arith.cmpi eq, %arg0, %eq3A : i32
    %convert_element_type3A = arith.extui %eq3A_0 : i1 to i32
    %cond3A = arith.constant 0 : i32
    %cond3A_1 = arith.cmpi ne, %convert_element_type3A, %cond3A : i32
    scf.if %cond3A_1 {
      %broadcast_in_dim3A = arith.constant 0.000000e+00 : f32
      %broadcast_in_dim3A_365 = vector.broadcast %broadcast_in_dim3A : f32 to vector<512x256xf32>
      %swap3A_366 = arith.constant 0 : index
      %swap3A_367 = arith.constant 0 : index
      %swap3A_368 = vector.load %arg15[%swap3A_366, %swap3A_367] : memref<512x256xf32, #tpu.memory_space<vmem>>, vector<512x256xf32>
      tpu.vector_store %arg15[%swap3A_366, %swap3A_367], %broadcast_in_dim3A_365 {strides = array<i32>} : memref<512x256xf32, #tpu.memory_space<vmem>>, vector<512x256xf32>,
      %broadcast_in_dim3A_369 = arith.constant 0.000000e+00 : f32
      %broadcast_in_dim3A_370 = vector.broadcast %broadcast_in_dim3A_369 : f32 to vector<512x256xf32>
      %swap3A_371 = arith.constant 0 : index
      %swap3A_372 = arith.constant 0 : index
      %swap3A_373 = vector.load %arg16[%swap3A_371, %swap3A_372] : memref<512x256xf32, #tpu.memory_space<vmem>>, vector<512x256xf32>
      tpu.vector_store %arg16[%swap3A_371, %swap3A_372], %broadcast_in_dim3A_370 {strides = array<i32>} : memref<512x256xf32, #tpu.memory_space<vmem>>, vector<512x256xf32>,
    } else {
    }
    %get3A = arith.constant 0 : index
    %get3A_2 = arith.constant 0 : index
    %get3A_3 = vector.load %arg15[%get3A, %get3A_2] : memref<512x256xf32, #tpu.memory_space<vmem>>, vector<512x256xf32>
    %get3A_4 = arith.constant 0 : index
    %get3A_5 = arith.constant 0 : index
    %get3A_6 = vector.load %arg16[%get3A_4, %get3A_5] : memref<512x256xf32, #tpu.memory_space<vmem>>, vector<512x256xf32>
    %get3A_7 = arith.constant 0 : index
    %get3A_8 = arith.constant 0 : index
    %get3A_9 = vector.load %arg2[%get3A_7, %get3A_8] : memref<256x1024xf32, #tpu.memory_space<vmem>>, vector<256x1024xf32>
    %get3A_10 = arith.constant 0 : index
    %get3A_11 = arith.constant 0 : index
    %get3A_12 = vector.load %arg3[%get3A_10, %get3A_11] : memref<256x1024xf32, #tpu.memory_space<vmem>>, vector<256x1024xf32>
    %get3A_13 = arith.constant 0 : index
    %get3A_14 = arith.constant 0 : index
    %get3A_15 = vector.load %arg4[%get3A_13, %get3A_14] : memref<1x1024xf32, #tpu.memory_space<vmem>>, vector<1x1024xf32>
    %get3A_16 = arith.constant 0 : index
    %get3A_17 = arith.constant 0 : index
    %get3A_18 = arith.constant 0 : index
    %get3A_19 = vector.load %arg1[%get3A_16, %get3A_17, %get3A_18] : memref<512x8x256xf32, #tpu.memory_space<vmem>>, vector<512x1x256xf32>
    %get3A_20 = vector.shape_cast %get3A_19 : vector<512x1x256xf32> to vector<512x256xf32>
    %dot_general3A = arith.constant dense<0.000000e+00> : vector<512x1024xf32>
    %dot_general3A_21 = tpu.matmul %get3A_20, %get3A_9, %dot_general3A {dimension_numbers = #tpu.dot_dimension_numbers<[1], [0], [0], [1], [0, 0, 1, 1], [], []>, transpose_lhs_hint = false} : vector<512x256xf32>, vector<256x1024xf32>, vector<512x1024xf32> -> vector<512x1024xf32>
    %dot_general3A_22 = arith.constant dense<0.000000e+00> : vector<512x1024xf32>
    %dot_general3A_23 = tpu.matmul %get3A_3, %get3A_12, %dot_general3A_22 {dimension_numbers = #tpu.dot_dimension_numbers<[1], [0], [0], [1], [0, 0, 1, 1], [], []>, transpose_lhs_hint = false} : vector<512x256xf32>, vector<256x1024xf32>, vector<512x1024xf32> -> vector<512x1024xf32>
    %add3A = arith.addf %dot_general3A_21, %dot_general3A_23 : vector<512x1024xf32>
    %add3A_24 = vector.broadcast %get3A_15 : vector<1x1024xf32> to vector<512x1024xf32>
    %add3A_25 = arith.addf %add3A, %add3A_24 : vector<512x1024xf32>
    %slice3A = vector.extract_strided_slice %add3A_25 {offsets = [0, 0], sizes = [512, 256], strides = [1, 1]} : vector<512x1024xf32> to vector<512x256xf32>
    %tanh3A = math.tanh %slice3A : vector<512x256xf32>
    %mul3A = arith.constant 5.000000e-01 : f32
    %mul3A_26 = vector.broadcast %mul3A : f32 to vector<512x256xf32>
    %mul3A_27 = arith.mulf %tanh3A, %mul3A_26 : vector<512x256xf32>
    %add3A_28 = arith.constant 5.000000e-01 : f32
    %add3A_29 = vector.broadcast %add3A_28 : f32 to vector<512x256xf32>
    %add3A_30 = arith.addf %mul3A_27, %add3A_29 : vector<512x256xf32>
    %slice3A_31 = vector.extract_strided_slice %add3A_25 {offsets = [0, 256], sizes = [512, 256], strides = [1, 1]} : vector<512x1024xf32> to vector<512x256xf32>
    %tanh3A_32 = math.tanh %slice3A_31 : vector<512x256xf32>
    %mul3A_33 = arith.constant 5.000000e-01 : f32
    %mul3A_34 = vector.broadcast %mul3A_33 : f32 to vector<512x256xf32>
    %mul3A_35 = arith.mulf %tanh3A_32, %mul3A_34 : vector<512x256xf32>
    %add3A_36 = arith.constant 5.000000e-01 : f32
    %add3A_37 = vector.broadcast %add3A_36 : f32 to vector<512x256xf32>
    %add3A_38 = arith.addf %mul3A_35, %add3A_37 : vector<512x256xf32>
    %slice3A_39 = vector.extract_strided_slice %add3A_25 {offsets = [0, 512], sizes = [512, 256], strides = [1, 1]} : vector<512x1024xf32> to vector<512x256xf32>
    %tanh3A_40 = math.tanh %slice3A_39 : vector<512x256xf32>
    %slice3A_41 = vector.extract_strided_slice %add3A_25 {offsets = [0, 768], sizes = [512, 256], strides = [1, 1]} : vector<512x1024xf32> to vector<512x256xf32>
    %tanh3A_42 = math.tanh %slice3A_41 : vector<512x256xf32>
    %mul3A_43 = arith.constant 5.000000e-01 : f32
    %mul3A_44 = vector.broadcast %mul3A_43 : f32 to vector<512x256xf32>
    %mul3A_45 = arith.mulf %tanh3A_42, %mul3A_44 : vector<512x256xf32>
    %add3A_46 = arith.constant 5.000000e-01 : f32
    %add3A_47 = vector.broadcast %add3A_46 : f32 to vector<512x256xf32>
    %add3A_48 = arith.addf %mul3A_45, %add3A_47 : vector<512x256xf32>
    %mul3A_49 = arith.mulf %add3A_38, %get3A_6 : vector<512x256xf32>
    %mul3A_50 = arith.mulf %add3A_30, %tanh3A_40 : vector<512x256xf32>
    %add3A_51 = arith.addf %mul3A_49, %mul3A_50 : vector<512x256xf32>
    %tanh3A_52 = math.tanh %add3A_51 : vector<512x256xf32>
    %mul3A_53 = arith.mulf %add3A_48, %tanh3A_52 : vector<512x256xf32>
    %get3A_54 = arith.constant 0 : index
    %get3A_55 = arith.constant 1 : index
    %get3A_56 = arith.constant 0 : index
    %get3A_57 = vector.load %arg1[%get3A_54, %get3A_55, %get3A_56] : memref<512x8x256xf32, #tpu.memory_space<vmem>>, vector<512x1x256xf32>
    %get3A_58 = vector.shape_cast %get3A_57 : vector<512x1x256xf32> to vector<512x256xf32>
    %dot_general3A_59 = arith.constant dense<0.000000e+00> : vector<512x1024xf32>
    %dot_general3A_60 = tpu.matmul %get3A_58, %get3A_9, %dot_general3A_59 {dimension_numbers = #tpu.dot_dimension_numbers<[1], [0], [0], [1], [0, 0, 1, 1], [], []>, transpose_lhs_hint = false} : vector<512x256xf32>, vector<256x1024xf32>, vector<512x1024xf32> -> vector<512x1024xf32>
    %dot_general3A_61 = arith.constant dense<0.000000e+00> : vector<512x1024xf32>
    %dot_general3A_62 = tpu.matmul %mul3A_53, %get3A_12, %dot_general3A_61 {dimension_numbers = #tpu.dot_dimension_numbers<[1], [0], [0], [1], [0, 0, 1, 1], [], []>, transpose_lhs_hint = false} : vector<512x256xf32>, vector<256x1024xf32>, vector<512x1024xf32> -> vector<512x1024xf32>
    %add3A_63 = arith.addf %dot_general3A_60, %dot_general3A_62 : vector<512x1024xf32>
    %add3A_64 = vector.broadcast %get3A_15 : vector<1x1024xf32> to vector<512x1024xf32>
    %add3A_65 = arith.addf %add3A_63, %add3A_64 : vector<512x1024xf32>
    %slice3A_66 = vector.extract_strided_slice %add3A_65 {offsets = [0, 0], sizes = [512, 256], strides = [1, 1]} : vector<512x1024xf32> to vector<512x256xf32>
    %tanh3A_67 = math.tanh %slice3A_66 : vector<512x256xf32>
    %mul3A_68 = arith.constant 5.000000e-01 : f32
    %mul3A_69 = vector.broadcast %mul3A_68 : f32 to vector<512x256xf32>
    %mul3A_70 = arith.mulf %tanh3A_67, %mul3A_69 : vector<512x256xf32>
    %add3A_71 = arith.constant 5.000000e-01 : f32
    %add3A_72 = vector.broadcast %add3A_71 : f32 to vector<512x256xf32>
    %add3A_73 = arith.addf %mul3A_70, %add3A_72 : vector<512x256xf32>
    %slice3A_74 = vector.extract_strided_slice %add3A_65 {offsets = [0, 256], sizes = [512, 256], strides = [1, 1]} : vector<512x1024xf32> to vector<512x256xf32>
    %tanh3A_75 = math.tanh %slice3A_74 : vector<512x256xf32>
    %mul3A_76 = arith.constant 5.000000e-01 : f32
    %mul3A_77 = vector.broadcast %mul3A_76 : f32 to vector<512x256xf32>
    %mul3A_78 = arith.mulf %tanh3A_75, %mul3A_77 : vector<512x256xf32>
    %add3A_79 = arith.constant 5.000000e-01 : f32
    %add3A_80 = vector.broadcast %add3A_79 : f32 to vector<512x256xf32>
    %add3A_81 = arith.addf %mul3A_78, %add3A_80 : vector<512x256xf32>
    %slice3A_82 = vector.extract_strided_slice %add3A_65 {offsets = [0, 512], sizes = [512, 256], strides = [1, 1]} : vector<512x1024xf32> to vector<512x256xf32>
    %tanh3A_83 = math.tanh %slice3A_82 : vector<512x256xf32>
    %slice3A_84 = vector.extract_strided_slice %add3A_65 {offsets = [0, 768], sizes = [512, 256], strides = [1, 1]} : vector<512x1024xf32> to vector<512x256xf32>
    %tanh3A_85 = math.tanh %slice3A_84 : vector<512x256xf32>
    %mul3A_86 = arith.constant 5.000000e-01 : f32
    %mul3A_87 = vector.broadcast %mul3A_86 : f32 to vector<512x256xf32>
    %mul3A_88 = arith.mulf %tanh3A_85, %mul3A_87 : vector<512x256xf32>
    %add3A_89 = arith.constant 5.000000e-01 : f32
    %add3A_90 = vector.broadcast %add3A_89 : f32 to vector<512x256xf32>
    %add3A_91 = arith.addf %mul3A_88, %add3A_90 : vector<512x256xf32>
    %mul3A_92 = arith.mulf %add3A_81, %add3A_51 : vector<512x256xf32>
    %mul3A_93 = arith.mulf %add3A_73, %tanh3A_83 : vector<512x256xf32>
    %add3A_94 = arith.addf %mul3A_92, %mul3A_93 : vector<512x256xf32>
    %tanh3A_95 = math.tanh %add3A_94 : vector<512x256xf32>
    %mul3A_96 = arith.mulf %add3A_91, %tanh3A_95 : vector<512x256xf32>
    %get3A_97 = arith.constant 0 : index
    %get3A_98 = arith.constant 2 : index
    %get3A_99 = arith.constant 0 : index
    %get3A_100 = vector.load %arg1[%get3A_97, %get3A_98, %get3A_99] : memref<512x8x256xf32, #tpu.memory_space<vmem>>, vector<512x1x256xf32>
    %get3A_101 = vector.shape_cast %get3A_100 : vector<512x1x256xf32> to vector<512x256xf32>
    %dot_general3A_102 = arith.constant dense<0.000000e+00> : vector<512x1024xf32>
    %dot_general3A_103 = tpu.matmul %get3A_101, %get3A_9, %dot_general3A_102 {dimension_numbers = #tpu.dot_dimension_numbers<[1], [0], [0], [1], [0, 0, 1, 1], [], []>, transpose_lhs_hint = false} : vector<512x256xf32>, vector<256x1024xf32>, vector<512x1024xf32> -> vector<512x1024xf32>
    %dot_general3A_104 = arith.constant dense<0.000000e+00> : vector<512x1024xf32>
    %dot_general3A_105 = tpu.matmul %mul3A_96, %get3A_12, %dot_general3A_104 {dimension_numbers = #tpu.dot_dimension_numbers<[1], [0], [0], [1], [0, 0, 1, 1], [], []>, transpose_lhs_hint = false} : vector<512x256xf32>, vector<256x1024xf32>, vector<512x1024xf32> -> vector<512x1024xf32>
    %add3A_106 = arith.addf %dot_general3A_103, %dot_general3A_105 : vector<512x1024xf32>
    %add3A_107 = vector.broadcast %get3A_15 : vector<1x1024xf32> to vector<512x1024xf32>
    %add3A_108 = arith.addf %add3A_106, %add3A_107 : vector<512x1024xf32>
    %slice3A_109 = vector.extract_strided_slice %add3A_108 {offsets = [0, 0], sizes = [512, 256], strides = [1, 1]} : vector<512x1024xf32> to vector<512x256xf32>
    %tanh3A_110 = math.tanh %slice3A_109 : vector<512x256xf32>
    %mul3A_111 = arith.constant 5.000000e-01 : f32
    %mul3A_112 = vector.broadcast %mul3A_111 : f32 to vector<512x256xf32>
    %mul3A_113 = arith.mulf %tanh3A_110, %mul3A_112 : vector<512x256xf32>
    %add3A_114 = arith.constant 5.000000e-01 : f32
    %add3A_115 = vector.broadcast %add3A_114 : f32 to vector<512x256xf32>
    %add3A_116 = arith.addf %mul3A_113, %add3A_115 : vector<512x256xf32>
    %slice3A_117 = vector.extract_strided_slice %add3A_108 {offsets = [0, 256], sizes = [512, 256], strides = [1, 1]} : vector<512x1024xf32> to vector<512x256xf32>
    %tanh3A_118 = math.tanh %slice3A_117 : vector<512x256xf32>
    %mul3A_119 = arith.constant 5.000000e-01 : f32
    %mul3A_120 = vector.broadcast %mul3A_119 : f32 to vector<512x256xf32>
    %mul3A_121 = arith.mulf %tanh3A_118, %mul3A_120 : vector<512x256xf32>
    %add3A_122 = arith.constant 5.000000e-01 : f32
    %add3A_123 = vector.broadcast %add3A_122 : f32 to vector<512x256xf32>
    %add3A_124 = arith.addf %mul3A_121, %add3A_123 : vector<512x256xf32>
    %slice3A_125 = vector.extract_strided_slice %add3A_108 {offsets = [0, 512], sizes = [512, 256], strides = [1, 1]} : vector<512x1024xf32> to vector<512x256xf32>
    %tanh3A_126 = math.tanh %slice3A_125 : vector<512x256xf32>
    %slice3A_127 = vector.extract_strided_slice %add3A_108 {offsets = [0, 768], sizes = [512, 256], strides = [1, 1]} : vector<512x1024xf32> to vector<512x256xf32>
    %tanh3A_128 = math.tanh %slice3A_127 : vector<512x256xf32>
    %mul3A_129 = arith.constant 5.000000e-01 : f32
    %mul3A_130 = vector.broadcast %mul3A_129 : f32 to vector<512x256xf32>
    %mul3A_131 = arith.mulf %tanh3A_128, %mul3A_130 : vector<512x256xf32>
    %add3A_132 = arith.constant 5.000000e-01 : f32
    %add3A_133 = vector.broadcast %add3A_132 : f32 to vector<512x256xf32>
    %add3A_134 = arith.addf %mul3A_131, %add3A_133 : vector<512x256xf32>
    %mul3A_135 = arith.mulf %add3A_124, %add3A_94 : vector<512x256xf32>
    %mul3A_136 = arith.mulf %add3A_116, %tanh3A_126 : vector<512x256xf32>
    %add3A_137 = arith.addf %mul3A_135, %mul3A_136 : vector<512x256xf32>
    %tanh3A_138 = math.tanh %add3A_137 : vector<512x256xf32>
    %mul3A_139 = arith.mulf %add3A_134, %tanh3A_138 : vector<512x256xf32>
    %get3A_140 = arith.constant 0 : index
    %get3A_141 = arith.constant 3 : index
    %get3A_142 = arith.constant 0 : index
    %get3A_143 = vector.load %arg1[%get3A_140, %get3A_141, %get3A_142] : memref<512x8x256xf32, #tpu.memory_space<vmem>>, vector<512x1x256xf32>
    %get3A_144 = vector.shape_cast %get3A_143 : vector<512x1x256xf32> to vector<512x256xf32>
    %dot_general3A_145 = arith.constant dense<0.000000e+00> : vector<512x1024xf32>
    %dot_general3A_146 = tpu.matmul %get3A_144, %get3A_9, %dot_general3A_145 {dimension_numbers = #tpu.dot_dimension_numbers<[1], [0], [0], [1], [0, 0, 1, 1], [], []>, transpose_lhs_hint = false} : vector<512x256xf32>, vector<256x1024xf32>, vector<512x1024xf32> -> vector<512x1024xf32>
    %dot_general3A_147 = arith.constant dense<0.000000e+00> : vector<512x1024xf32>
    %dot_general3A_148 = tpu.matmul %mul3A_139, %get3A_12, %dot_general3A_147 {dimension_numbers = #tpu.dot_dimension_numbers<[1], [0], [0], [1], [0, 0, 1, 1], [], []>, transpose_lhs_hint = false} : vector<512x256xf32>, vector<256x1024xf32>, vector<512x1024xf32> -> vector<512x1024xf32>
    %add3A_149 = arith.addf %dot_general3A_146, %dot_general3A_148 : vector<512x1024xf32>
    %add3A_150 = vector.broadcast %get3A_15 : vector<1x1024xf32> to vector<512x1024xf32>
    %add3A_151 = arith.addf %add3A_149, %add3A_150 : vector<512x1024xf32>
    %slice3A_152 = vector.extract_strided_slice %add3A_151 {offsets = [0, 0], sizes = [512, 256], strides = [1, 1]} : vector<512x1024xf32> to vector<512x256xf32>
    %tanh3A_153 = math.tanh %slice3A_152 : vector<512x256xf32>
    %mul3A_154 = arith.constant 5.000000e-01 : f32
    %mul3A_155 = vector.broadcast %mul3A_154 : f32 to vector<512x256xf32>
    %mul3A_156 = arith.mulf %tanh3A_153, %mul3A_155 : vector<512x256xf32>
    %add3A_157 = arith.constant 5.000000e-01 : f32
    %add3A_158 = vector.broadcast %add3A_157 : f32 to vector<512x256xf32>
    %add3A_159 = arith.addf %mul3A_156, %add3A_158 : vector<512x256xf32>
    %slice3A_160 = vector.extract_strided_slice %add3A_151 {offsets = [0, 256], sizes = [512, 256], strides = [1, 1]} : vector<512x1024xf32> to vector<512x256xf32>
    %tanh3A_161 = math.tanh %slice3A_160 : vector<512x256xf32>
    %mul3A_162 = arith.constant 5.000000e-01 : f32
    %mul3A_163 = vector.broadcast %mul3A_162 : f32 to vector<512x256xf32>
    %mul3A_164 = arith.mulf %tanh3A_161, %mul3A_163 : vector<512x256xf32>
    %add3A_165 = arith.constant 5.000000e-01 : f32
    %add3A_166 = vector.broadcast %add3A_165 : f32 to vector<512x256xf32>
    %add3A_167 = arith.addf %mul3A_164, %add3A_166 : vector<512x256xf32>
    %slice3A_168 = vector.extract_strided_slice %add3A_151 {offsets = [0, 512], sizes = [512, 256], strides = [1, 1]} : vector<512x1024xf32> to vector<512x256xf32>
    %tanh3A_169 = math.tanh %slice3A_168 : vector<512x256xf32>
    %slice3A_170 = vector.extract_strided_slice %add3A_151 {offsets = [0, 768], sizes = [512, 256], strides = [1, 1]} : vector<512x1024xf32> to vector<512x256xf32>
    %tanh3A_171 = math.tanh %slice3A_170 : vector<512x256xf32>
    %mul3A_172 = arith.constant 5.000000e-01 : f32
    %mul3A_173 = vector.broadcast %mul3A_172 : f32 to vector<512x256xf32>
    %mul3A_174 = arith.mulf %tanh3A_171, %mul3A_173 : vector<512x256xf32>
    %add3A_175 = arith.constant 5.000000e-01 : f32
    %add3A_176 = vector.broadcast %add3A_175 : f32 to vector<512x256xf32>
    %add3A_177 = arith.addf %mul3A_174, %add3A_176 : vector<512x256xf32>
    %mul3A_178 = arith.mulf %add3A_167, %add3A_137 : vector<512x256xf32>
    %mul3A_179 = arith.mulf %add3A_159, %tanh3A_169 : vector<512x256xf32>
    %add3A_180 = arith.addf %mul3A_178, %mul3A_179 : vector<512x256xf32>
    %tanh3A_181 = math.tanh %add3A_180 : vector<512x256xf32>
    %mul3A_182 = arith.mulf %add3A_177, %tanh3A_181 : vector<512x256xf32>
    %get3A_183 = arith.constant 0 : index
    %get3A_184 = arith.constant 4 : index
    %get3A_185 = arith.constant 0 : index
    %get3A_186 = vector.load %arg1[%get3A_183, %get3A_184, %get3A_185] : memref<512x8x256xf32, #tpu.memory_space<vmem>>, vector<512x1x256xf32>
    %get3A_187 = vector.shape_cast %get3A_186 : vector<512x1x256xf32> to vector<512x256xf32>
    %dot_general3A_188 = arith.constant dense<0.000000e+00> : vector<512x1024xf32>
    %dot_general3A_189 = tpu.matmul %get3A_187, %get3A_9, %dot_general3A_188 {dimension_numbers = #tpu.dot_dimension_numbers<[1], [0], [0], [1], [0, 0, 1, 1], [], []>, transpose_lhs_hint = false} : vector<512x256xf32>, vector<256x1024xf32>, vector<512x1024xf32> -> vector<512x1024xf32>
    %dot_general3A_190 = arith.constant dense<0.000000e+00> : vector<512x1024xf32>
    %dot_general3A_191 = tpu.matmul %mul3A_182, %get3A_12, %dot_general3A_190 {dimension_numbers = #tpu.dot_dimension_numbers<[1], [0], [0], [1], [0, 0, 1, 1], [], []>, transpose_lhs_hint = false} : vector<512x256xf32>, vector<256x1024xf32>, vector<512x1024xf32> -> vector<512x1024xf32>
    %add3A_192 = arith.addf %dot_general3A_189, %dot_general3A_191 : vector<512x1024xf32>
    %add3A_193 = vector.broadcast %get3A_15 : vector<1x1024xf32> to vector<512x1024xf32>
    %add3A_194 = arith.addf %add3A_192, %add3A_193 : vector<512x1024xf32>
    %slice3A_195 = vector.extract_strided_slice %add3A_194 {offsets = [0, 0], sizes = [512, 256], strides = [1, 1]} : vector<512x1024xf32> to vector<512x256xf32>
    %tanh3A_196 = math.tanh %slice3A_195 : vector<512x256xf32>
    %mul3A_197 = arith.constant 5.000000e-01 : f32
    %mul3A_198 = vector.broadcast %mul3A_197 : f32 to vector<512x256xf32>
    %mul3A_199 = arith.mulf %tanh3A_196, %mul3A_198 : vector<512x256xf32>
    %add3A_200 = arith.constant 5.000000e-01 : f32
    %add3A_201 = vector.broadcast %add3A_200 : f32 to vector<512x256xf32>
    %add3A_202 = arith.addf %mul3A_199, %add3A_201 : vector<512x256xf32>
    %slice3A_203 = vector.extract_strided_slice %add3A_194 {offsets = [0, 256], sizes = [512, 256], strides = [1, 1]} : vector<512x1024xf32> to vector<512x256xf32>
    %tanh3A_204 = math.tanh %slice3A_203 : vector<512x256xf32>
    %mul3A_205 = arith.constant 5.000000e-01 : f32
    %mul3A_206 = vector.broadcast %mul3A_205 : f32 to vector<512x256xf32>
    %mul3A_207 = arith.mulf %tanh3A_204, %mul3A_206 : vector<512x256xf32>
    %add3A_208 = arith.constant 5.000000e-01 : f32
    %add3A_209 = vector.broadcast %add3A_208 : f32 to vector<512x256xf32>
    %add3A_210 = arith.addf %mul3A_207, %add3A_209 : vector<512x256xf32>
    %slice3A_211 = vector.extract_strided_slice %add3A_194 {offsets = [0, 512], sizes = [512, 256], strides = [1, 1]} : vector<512x1024xf32> to vector<512x256xf32>
    %tanh3A_212 = math.tanh %slice3A_211 : vector<512x256xf32>
    %slice3A_213 = vector.extract_strided_slice %add3A_194 {offsets = [0, 768], sizes = [512, 256], strides = [1, 1]} : vector<512x1024xf32> to vector<512x256xf32>
    %tanh3A_214 = math.tanh %slice3A_213 : vector<512x256xf32>
    %mul3A_215 = arith.constant 5.000000e-01 : f32
    %mul3A_216 = vector.broadcast %mul3A_215 : f32 to vector<512x256xf32>
    %mul3A_217 = arith.mulf %tanh3A_214, %mul3A_216 : vector<512x256xf32>
    %add3A_218 = arith.constant 5.000000e-01 : f32
    %add3A_219 = vector.broadcast %add3A_218 : f32 to vector<512x256xf32>
    %add3A_220 = arith.addf %mul3A_217, %add3A_219 : vector<512x256xf32>
    %mul3A_221 = arith.mulf %add3A_210, %add3A_180 : vector<512x256xf32>
    %mul3A_222 = arith.mulf %add3A_202, %tanh3A_212 : vector<512x256xf32>
    %add3A_223 = arith.addf %mul3A_221, %mul3A_222 : vector<512x256xf32>
    %tanh3A_224 = math.tanh %add3A_223 : vector<512x256xf32>
    %mul3A_225 = arith.mulf %add3A_220, %tanh3A_224 : vector<512x256xf32>
    %get3A_226 = arith.constant 0 : index
    %get3A_227 = arith.constant 5 : index
    %get3A_228 = arith.constant 0 : index
    %get3A_229 = vector.load %arg1[%get3A_226, %get3A_227, %get3A_228] : memref<512x8x256xf32, #tpu.memory_space<vmem>>, vector<512x1x256xf32>
    %get3A_230 = vector.shape_cast %get3A_229 : vector<512x1x256xf32> to vector<512x256xf32>
    %dot_general3A_231 = arith.constant dense<0.000000e+00> : vector<512x1024xf32>
    %dot_general3A_232 = tpu.matmul %get3A_230, %get3A_9, %dot_general3A_231 {dimension_numbers = #tpu.dot_dimension_numbers<[1], [0], [0], [1], [0, 0, 1, 1], [], []>, transpose_lhs_hint = false} : vector<512x256xf32>, vector<256x1024xf32>, vector<512x1024xf32> -> vector<512x1024xf32>
    %dot_general3A_233 = arith.constant dense<0.000000e+00> : vector<512x1024xf32>
    %dot_general3A_234 = tpu.matmul %mul3A_225, %get3A_12, %dot_general3A_233 {dimension_numbers = #tpu.dot_dimension_numbers<[1], [0], [0], [1], [0, 0, 1, 1], [], []>, transpose_lhs_hint = false} : vector<512x256xf32>, vector<256x1024xf32>, vector<512x1024xf32> -> vector<512x1024xf32>
    %add3A_235 = arith.addf %dot_general3A_232, %dot_general3A_234 : vector<512x1024xf32>
    %add3A_236 = vector.broadcast %get3A_15 : vector<1x1024xf32> to vector<512x1024xf32>
    %add3A_237 = arith.addf %add3A_235, %add3A_236 : vector<512x1024xf32>
    %slice3A_238 = vector.extract_strided_slice %add3A_237 {offsets = [0, 0], sizes = [512, 256], strides = [1, 1]} : vector<512x1024xf32> to vector<512x256xf32>
    %tanh3A_239 = math.tanh %slice3A_238 : vector<512x256xf32>
    %mul3A_240 = arith.constant 5.000000e-01 : f32
    %mul3A_241 = vector.broadcast %mul3A_240 : f32 to vector<512x256xf32>
    %mul3A_242 = arith.mulf %tanh3A_239, %mul3A_241 : vector<512x256xf32>
    %add3A_243 = arith.constant 5.000000e-01 : f32
    %add3A_244 = vector.broadcast %add3A_243 : f32 to vector<512x256xf32>
    %add3A_245 = arith.addf %mul3A_242, %add3A_244 : vector<512x256xf32>
    %slice3A_246 = vector.extract_strided_slice %add3A_237 {offsets = [0, 256], sizes = [512, 256], strides = [1, 1]} : vector<512x1024xf32> to vector<512x256xf32>
    %tanh3A_247 = math.tanh %slice3A_246 : vector<512x256xf32>
    %mul3A_248 = arith.constant 5.000000e-01 : f32
    %mul3A_249 = vector.broadcast %mul3A_248 : f32 to vector<512x256xf32>
    %mul3A_250 = arith.mulf %tanh3A_247, %mul3A_249 : vector<512x256xf32>
    %add3A_251 = arith.constant 5.000000e-01 : f32
    %add3A_252 = vector.broadcast %add3A_251 : f32 to vector<512x256xf32>
    %add3A_253 = arith.addf %mul3A_250, %add3A_252 : vector<512x256xf32>
    %slice3A_254 = vector.extract_strided_slice %add3A_237 {offsets = [0, 512], sizes = [512, 256], strides = [1, 1]} : vector<512x1024xf32> to vector<512x256xf32>
    %tanh3A_255 = math.tanh %slice3A_254 : vector<512x256xf32>
    %slice3A_256 = vector.extract_strided_slice %add3A_237 {offsets = [0, 768], sizes = [512, 256], strides = [1, 1]} : vector<512x1024xf32> to vector<512x256xf32>
    %tanh3A_257 = math.tanh %slice3A_256 : vector<512x256xf32>
    %mul3A_258 = arith.constant 5.000000e-01 : f32
    %mul3A_259 = vector.broadcast %mul3A_258 : f32 to vector<512x256xf32>
    %mul3A_260 = arith.mulf %tanh3A_257, %mul3A_259 : vector<512x256xf32>
    %add3A_261 = arith.constant 5.000000e-01 : f32
    %add3A_262 = vector.broadcast %add3A_261 : f32 to vector<512x256xf32>
    %add3A_263 = arith.addf %mul3A_260, %add3A_262 : vector<512x256xf32>
    %mul3A_264 = arith.mulf %add3A_253, %add3A_223 : vector<512x256xf32>
    %mul3A_265 = arith.mulf %add3A_245, %tanh3A_255 : vector<512x256xf32>
    %add3A_266 = arith.addf %mul3A_264, %mul3A_265 : vector<512x256xf32>
    %tanh3A_267 = math.tanh %add3A_266 : vector<512x256xf32>
    %mul3A_268 = arith.mulf %add3A_263, %tanh3A_267 : vector<512x256xf32>
    %get3A_269 = arith.constant 0 : index
    %get3A_270 = arith.constant 6 : index
    %get3A_271 = arith.constant 0 : index
    %get3A_272 = vector.load %arg1[%get3A_269, %get3A_270, %get3A_271] : memref<512x8x256xf32, #tpu.memory_space<vmem>>, vector<512x1x256xf32>
    %get3A_273 = vector.shape_cast %get3A_272 : vector<512x1x256xf32> to vector<512x256xf32>
    %dot_general3A_274 = arith.constant dense<0.000000e+00> : vector<512x1024xf32>
    %dot_general3A_275 = tpu.matmul %get3A_273, %get3A_9, %dot_general3A_274 {dimension_numbers = #tpu.dot_dimension_numbers<[1], [0], [0], [1], [0, 0, 1, 1], [], []>, transpose_lhs_hint = false} : vector<512x256xf32>, vector<256x1024xf32>, vector<512x1024xf32> -> vector<512x1024xf32>
    %dot_general3A_276 = arith.constant dense<0.000000e+00> : vector<512x1024xf32>
    %dot_general3A_277 = tpu.matmul %mul3A_268, %get3A_12, %dot_general3A_276 {dimension_numbers = #tpu.dot_dimension_numbers<[1], [0], [0], [1], [0, 0, 1, 1], [], []>, transpose_lhs_hint = false} : vector<512x256xf32>, vector<256x1024xf32>, vector<512x1024xf32> -> vector<512x1024xf32>
    %add3A_278 = arith.addf %dot_general3A_275, %dot_general3A_277 : vector<512x1024xf32>
    %add3A_279 = vector.broadcast %get3A_15 : vector<1x1024xf32> to vector<512x1024xf32>
    %add3A_280 = arith.addf %add3A_278, %add3A_279 : vector<512x1024xf32>
    %slice3A_281 = vector.extract_strided_slice %add3A_280 {offsets = [0, 0], sizes = [512, 256], strides = [1, 1]} : vector<512x1024xf32> to vector<512x256xf32>
    %tanh3A_282 = math.tanh %slice3A_281 : vector<512x256xf32>
    %mul3A_283 = arith.constant 5.000000e-01 : f32
    %mul3A_284 = vector.broadcast %mul3A_283 : f32 to vector<512x256xf32>
    %mul3A_285 = arith.mulf %tanh3A_282, %mul3A_284 : vector<512x256xf32>
    %add3A_286 = arith.constant 5.000000e-01 : f32
    %add3A_287 = vector.broadcast %add3A_286 : f32 to vector<512x256xf32>
    %add3A_288 = arith.addf %mul3A_285, %add3A_287 : vector<512x256xf32>
    %slice3A_289 = vector.extract_strided_slice %add3A_280 {offsets = [0, 256], sizes = [512, 256], strides = [1, 1]} : vector<512x1024xf32> to vector<512x256xf32>
    %tanh3A_290 = math.tanh %slice3A_289 : vector<512x256xf32>
    %mul3A_291 = arith.constant 5.000000e-01 : f32
    %mul3A_292 = vector.broadcast %mul3A_291 : f32 to vector<512x256xf32>
    %mul3A_293 = arith.mulf %tanh3A_290, %mul3A_292 : vector<512x256xf32>
    %add3A_294 = arith.constant 5.000000e-01 : f32
    %add3A_295 = vector.broadcast %add3A_294 : f32 to vector<512x256xf32>
    %add3A_296 = arith.addf %mul3A_293, %add3A_295 : vector<512x256xf32>
    %slice3A_297 = vector.extract_strided_slice %add3A_280 {offsets = [0, 512], sizes = [512, 256], strides = [1, 1]} : vector<512x1024xf32> to vector<512x256xf32>
    %tanh3A_298 = math.tanh %slice3A_297 : vector<512x256xf32>
    %slice3A_299 = vector.extract_strided_slice %add3A_280 {offsets = [0, 768], sizes = [512, 256], strides = [1, 1]} : vector<512x1024xf32> to vector<512x256xf32>
    %tanh3A_300 = math.tanh %slice3A_299 : vector<512x256xf32>
    %mul3A_301 = arith.constant 5.000000e-01 : f32
    %mul3A_302 = vector.broadcast %mul3A_301 : f32 to vector<512x256xf32>
    %mul3A_303 = arith.mulf %tanh3A_300, %mul3A_302 : vector<512x256xf32>
    %add3A_304 = arith.constant 5.000000e-01 : f32
    %add3A_305 = vector.broadcast %add3A_304 : f32 to vector<512x256xf32>
    %add3A_306 = arith.addf %mul3A_303, %add3A_305 : vector<512x256xf32>
    %mul3A_307 = arith.mulf %add3A_296, %add3A_266 : vector<512x256xf32>
    %mul3A_308 = arith.mulf %add3A_288, %tanh3A_298 : vector<512x256xf32>
    %add3A_309 = arith.addf %mul3A_307, %mul3A_308 : vector<512x256xf32>
    %tanh3A_310 = math.tanh %add3A_309 : vector<512x256xf32>
    %mul3A_311 = arith.mulf %add3A_306, %tanh3A_310 : vector<512x256xf32>
    %get3A_312 = arith.constant 0 : index
    %get3A_313 = arith.constant 7 : index
    %get3A_314 = arith.constant 0 : index
    %get3A_315 = vector.load %arg1[%get3A_312, %get3A_313, %get3A_314] : memref<512x8x256xf32, #tpu.memory_space<vmem>>, vector<512x1x256xf32>
    %get3A_316 = vector.shape_cast %get3A_315 : vector<512x1x256xf32> to vector<512x256xf32>
    %dot_general3A_317 = arith.constant dense<0.000000e+00> : vector<512x1024xf32>
    %dot_general3A_318 = tpu.matmul %get3A_316, %get3A_9, %dot_general3A_317 {dimension_numbers = #tpu.dot_dimension_numbers<[1], [0], [0], [1], [0, 0, 1, 1], [], []>, transpose_lhs_hint = false} : vector<512x256xf32>, vector<256x1024xf32>, vector<512x1024xf32> -> vector<512x1024xf32>
    %dot_general3A_319 = arith.constant dense<0.000000e+00> : vector<512x1024xf32>
    %dot_general3A_320 = tpu.matmul %mul3A_311, %get3A_12, %dot_general3A_319 {dimension_numbers = #tpu.dot_dimension_numbers<[1], [0], [0], [1], [0, 0, 1, 1], [], []>, transpose_lhs_hint = false} : vector<512x256xf32>, vector<256x1024xf32>, vector<512x1024xf32> -> vector<512x1024xf32>
    %add3A_321 = arith.addf %dot_general3A_318, %dot_general3A_320 : vector<512x1024xf32>
    %add3A_322 = vector.broadcast %get3A_15 : vector<1x1024xf32> to vector<512x1024xf32>
    %add3A_323 = arith.addf %add3A_321, %add3A_322 : vector<512x1024xf32>
    %slice3A_324 = vector.extract_strided_slice %add3A_323 {offsets = [0, 0], sizes = [512, 256], strides = [1, 1]} : vector<512x1024xf32> to vector<512x256xf32>
    %tanh3A_325 = math.tanh %slice3A_324 : vector<512x256xf32>
    %mul3A_326 = arith.constant 5.000000e-01 : f32
    %mul3A_327 = vector.broadcast %mul3A_326 : f32 to vector<512x256xf32>
    %mul3A_328 = arith.mulf %tanh3A_325, %mul3A_327 : vector<512x256xf32>
    %add3A_329 = arith.constant 5.000000e-01 : f32
    %add3A_330 = vector.broadcast %add3A_329 : f32 to vector<512x256xf32>
    %add3A_331 = arith.addf %mul3A_328, %add3A_330 : vector<512x256xf32>
    %slice3A_332 = vector.extract_strided_slice %add3A_323 {offsets = [0, 256], sizes = [512, 256], strides = [1, 1]} : vector<512x1024xf32> to vector<512x256xf32>
    %tanh3A_333 = math.tanh %slice3A_332 : vector<512x256xf32>
    %mul3A_334 = arith.constant 5.000000e-01 : f32
    %mul3A_335 = vector.broadcast %mul3A_334 : f32 to vector<512x256xf32>
    %mul3A_336 = arith.mulf %tanh3A_333, %mul3A_335 : vector<512x256xf32>
    %add3A_337 = arith.constant 5.000000e-01 : f32
    %add3A_338 = vector.broadcast %add3A_337 : f32 to vector<512x256xf32>
    %add3A_339 = arith.addf %mul3A_336, %add3A_338 : vector<512x256xf32>
    %slice3A_340 = vector.extract_strided_slice %add3A_323 {offsets = [0, 512], sizes = [512, 256], strides = [1, 1]} : vector<512x1024xf32> to vector<512x256xf32>
    %tanh3A_341 = math.tanh %slice3A_340 : vector<512x256xf32>
    %slice3A_342 = vector.extract_strided_slice %add3A_323 {offsets = [0, 768], sizes = [512, 256], strides = [1, 1]} : vector<512x1024xf32> to vector<512x256xf32>
    %tanh3A_343 = math.tanh %slice3A_342 : vector<512x256xf32>
    %mul3A_344 = arith.constant 5.000000e-01 : f32
    %mul3A_345 = vector.broadcast %mul3A_344 : f32 to vector<512x256xf32>
    %mul3A_346 = arith.mulf %tanh3A_343, %mul3A_345 : vector<512x256xf32>
    %add3A_347 = arith.constant 5.000000e-01 : f32
    %add3A_348 = vector.broadcast %add3A_347 : f32 to vector<512x256xf32>
    %add3A_349 = arith.addf %mul3A_346, %add3A_348 : vector<512x256xf32>
    %mul3A_350 = arith.mulf %add3A_339, %add3A_309 : vector<512x256xf32>
    %mul3A_351 = arith.mulf %add3A_331, %tanh3A_341 : vector<512x256xf32>
    %add3A_352 = arith.addf %mul3A_350, %mul3A_351 : vector<512x256xf32>
    %tanh3A_353 = math.tanh %add3A_352 : vector<512x256xf32>
    %mul3A_354 = arith.mulf %add3A_349, %tanh3A_353 : vector<512x256xf32>
    %swap3A = arith.constant 0 : index
    %swap3A_355 = arith.constant 0 : index
    %swap3A_356 = vector.load %arg15[%swap3A, %swap3A_355] : memref<512x256xf32, #tpu.memory_space<vmem>>, vector<512x256xf32>
    tpu.vector_store %arg15[%swap3A, %swap3A_355], %mul3A_354 {strides = array<i32>} : memref<512x256xf32, #tpu.memory_space<vmem>>, vector<512x256xf32>,
    %swap3A_357 = arith.constant 0 : index
    %swap3A_358 = arith.constant 0 : index
    %swap3A_359 = vector.load %arg16[%swap3A_357, %swap3A_358] : memref<512x256xf32, #tpu.memory_space<vmem>>, vector<512x256xf32>
    tpu.vector_store %arg16[%swap3A_357, %swap3A_358], %add3A_352 {strides = array<i32>} : memref<512x256xf32, #tpu.memory_space<vmem>>, vector<512x256xf32>,
    %eq3A_360 = arith.constant 24 : i32
    %eq3A_361 = arith.cmpi eq, %arg0, %eq3A_360 : i32
    %convert_element_type3A_362 = arith.extui %eq3A_361 : i1 to i32
    %cond3A_363 = arith.constant 0 : i32
    %cond3A_364 = arith.cmpi ne, %convert_element_type3A_362, %cond3A_363 : i32
    scf.if %cond3A_364 {
      %get3A_365 = arith.constant 0 : index
      %get3A_366 = arith.constant 0 : index
      %get3A_367 = vector.load %arg5[%get3A_365, %get3A_366] : memref<512x256xf32, #tpu.memory_space<vmem>>, vector<512x256xf32>
      %dot_general3A_368 = arith.constant dense<0.000000e+00> : vector<512x1024xf32>
      %dot_general3A_369 = tpu.matmul %get3A_367, %get3A_9, %dot_general3A_368 {dimension_numbers = #tpu.dot_dimension_numbers<[1], [0], [0], [1], [0, 0, 1, 1], [], []>, transpose_lhs_hint = false} : vector<512x256xf32>, vector<256x1024xf32>, vector<512x1024xf32> -> vector<512x1024xf32>
      %dot_general3A_370 = arith.constant dense<0.000000e+00> : vector<512x1024xf32>
      %dot_general3A_371 = tpu.matmul %mul3A_354, %get3A_12, %dot_general3A_370 {dimension_numbers = #tpu.dot_dimension_numbers<[1], [0], [0], [1], [0, 0, 1, 1], [], []>, transpose_lhs_hint = false} : vector<512x256xf32>, vector<256x1024xf32>, vector<512x1024xf32> -> vector<512x1024xf32>
      %add3A_372 = arith.addf %dot_general3A_369, %dot_general3A_371 : vector<512x1024xf32>
      %add3A_373 = vector.broadcast %get3A_15 : vector<1x1024xf32> to vector<512x1024xf32>
      %add3A_374 = arith.addf %add3A_372, %add3A_373 : vector<512x1024xf32>
      %slice3A_375 = vector.extract_strided_slice %add3A_374 {offsets = [0, 0], sizes = [512, 256], strides = [1, 1]} : vector<512x1024xf32> to vector<512x256xf32>
      %tanh3A_376 = math.tanh %slice3A_375 : vector<512x256xf32>
      %mul3A_377 = arith.constant 5.000000e-01 : f32
      %mul3A_378 = vector.broadcast %mul3A_377 : f32 to vector<512x256xf32>
      %mul3A_379 = arith.mulf %tanh3A_376, %mul3A_378 : vector<512x256xf32>
      %add3A_380 = arith.constant 5.000000e-01 : f32
      %add3A_381 = vector.broadcast %add3A_380 : f32 to vector<512x256xf32>
      %add3A_382 = arith.addf %mul3A_379, %add3A_381 : vector<512x256xf32>
      %slice3A_383 = vector.extract_strided_slice %add3A_374 {offsets = [0, 256], sizes = [512, 256], strides = [1, 1]} : vector<512x1024xf32> to vector<512x256xf32>
      %tanh3A_384 = math.tanh %slice3A_383 : vector<512x256xf32>
      %mul3A_385 = arith.constant 5.000000e-01 : f32
      %mul3A_386 = vector.broadcast %mul3A_385 : f32 to vector<512x256xf32>
      %mul3A_387 = arith.mulf %tanh3A_384, %mul3A_386 : vector<512x256xf32>
      %add3A_388 = arith.constant 5.000000e-01 : f32
      %add3A_389 = vector.broadcast %add3A_388 : f32 to vector<512x256xf32>
      %add3A_390 = arith.addf %mul3A_387, %add3A_389 : vector<512x256xf32>
      %slice3A_391 = vector.extract_strided_slice %add3A_374 {offsets = [0, 512], sizes = [512, 256], strides = [1, 1]} : vector<512x1024xf32> to vector<512x256xf32>
      %tanh3A_392 = math.tanh %slice3A_391 : vector<512x256xf32>
      %slice3A_393 = vector.extract_strided_slice %add3A_374 {offsets = [0, 768], sizes = [512, 256], strides = [1, 1]} : vector<512x1024xf32> to vector<512x256xf32>
      %tanh3A_394 = math.tanh %slice3A_393 : vector<512x256xf32>
      %mul3A_395 = arith.constant 5.000000e-01 : f32
      %mul3A_396 = vector.broadcast %mul3A_395 : f32 to vector<512x256xf32>
      %mul3A_397 = arith.mulf %tanh3A_394, %mul3A_396 : vector<512x256xf32>
      %add3A_398 = arith.constant 5.000000e-01 : f32
      %add3A_399 = vector.broadcast %add3A_398 : f32 to vector<512x256xf32>
      %add3A_400 = arith.addf %mul3A_397, %add3A_399 : vector<512x256xf32>
      %mul3A_401 = arith.mulf %add3A_390, %add3A_352 : vector<512x256xf32>
      %mul3A_402 = arith.mulf %add3A_382, %tanh3A_392 : vector<512x256xf32>
      %add3A_403 = arith.addf %mul3A_401, %mul3A_402 : vector<512x256xf32>
      %tanh3A_404 = math.tanh %add3A_403 : vector<512x256xf32>
      %mul3A_405 = arith.mulf %add3A_400, %tanh3A_404 : vector<512x256xf32>
      %slice3A_406 = vector.extract_strided_slice %get3A_367 {offsets = [0, 0], sizes = [512, 128], strides = [1, 1]} : vector<512x256xf32> to vector<512x128xf32>
      %get3A_407 = arith.constant 0 : index
      %get3A_408 = arith.constant 0 : index
      %get3A_409 = vector.load %arg9[%get3A_407, %get3A_408] : memref<128x128xf32, #tpu.memory_space<vmem>>, vector<128x128xf32>
      %dot_general3A_410 = arith.constant dense<0.000000e+00> : vector<512x128xf32>
      %dot_general3A_411 = tpu.matmul %slice3A_406, %get3A_409, %dot_general3A_410 {dimension_numbers = #tpu.dot_dimension_numbers<[1], [0], [0], [1], [0, 0, 1, 1], [], []>, transpose_lhs_hint = false} : vector<512x128xf32>, vector<128x128xf32>, vector<512x128xf32> -> vector<512x128xf32>
      %get3A_412 = arith.constant 0 : index
      %get3A_413 = arith.constant 0 : index
      %get3A_414 = vector.load %arg10[%get3A_412, %get3A_413] : memref<1x128xf32, #tpu.memory_space<vmem>>, vector<1x128xf32>
      %add3A_415 = vector.broadcast %get3A_414 : vector<1x128xf32> to vector<512x128xf32>
      %add3A_416 = arith.addf %dot_general3A_411, %add3A_415 : vector<512x128xf32>
      %mul3A_417 = arith.mulf %add3A_416, %add3A_416 : vector<512x128xf32>
      %reduce_sum3A = arith.constant dense<0.000000e+00> : vector<512xf32>
      %reduce_sum3A_418 = vector.multi_reduction <add>, %mul3A_417, %reduce_sum3A [1] : vector<512x128xf32> to vector<512xf32>
      %broadcast_in_dim3A = vector.shape_cast %reduce_sum3A_418 : vector<512xf32> to vector<512x1xf32>
      %sqrt3A = math.sqrt %broadcast_in_dim3A : vector<512x1xf32>
      %add3A_419 = arith.constant 9.99999993E-9 : f32
      %add3A_420 = vector.broadcast %add3A_419 : f32 to vector<512x1xf32>
      %add3A_421 = arith.addf %sqrt3A, %add3A_420 : vector<512x1xf32>
      %div3A = vector.broadcast %add3A_421 : vector<512x1xf32> to vector<512x128xf32>
      %div3A_422 = arith.divf %add3A_416, %div3A : vector<512x128xf32>
      %get3A_423 = arith.constant 0 : index
      %get3A_424 = arith.constant 0 : index
      %get3A_425 = vector.load %arg6[%get3A_423, %get3A_424] : memref<512x128xf32, #tpu.memory_space<vmem>>, vector<512x128xf32>
      %mul3A_426 = arith.mulf %get3A_425, %get3A_425 : vector<512x128xf32>
      %reduce_sum3A_427 = arith.constant dense<0.000000e+00> : vector<512xf32>
      %reduce_sum3A_428 = vector.multi_reduction <add>, %mul3A_426, %reduce_sum3A_427 [1] : vector<512x128xf32> to vector<512xf32>
      %broadcast_in_dim3A_429 = vector.shape_cast %reduce_sum3A_428 : vector<512xf32> to vector<512x1xf32>
      %sqrt3A_430 = math.sqrt %broadcast_in_dim3A_429 : vector<512x1xf32>
      %add3A_431 = arith.constant 9.99999993E-9 : f32
      %add3A_432 = vector.broadcast %add3A_431 : f32 to vector<512x1xf32>
      %add3A_433 = arith.addf %sqrt3A_430, %add3A_432 : vector<512x1xf32>
      %div3A_434 = vector.broadcast %add3A_433 : vector<512x1xf32> to vector<512x128xf32>
      %div3A_435 = arith.divf %get3A_425, %div3A_434 : vector<512x128xf32>
      %dot_general3A_436 = arith.constant dense<0.000000e+00> : vector<512x512xf32>
      %dot_general3A_437 = tpu.matmul %div3A_422, %div3A_435, %dot_general3A_436 {dimension_numbers = #tpu.dot_dimension_numbers<[1], [1], [0], [0], [0, 0, 1, 0], [], []>, transpose_lhs_hint = false} : vector<512x128xf32>, vector<512x128xf32>, vector<512x512xf32> -> vector<512x512xf32>
      %get3A_438 = arith.constant 0 : index
      %get3A_439 = arith.constant 0 : index
      %get3A_440 = vector.load %arg8[%get3A_438, %get3A_439] : memref<1x512xf32, #tpu.memory_space<vmem>>, vector<1x512xf32>
      %gt3A = arith.constant 0.000000e+00 : f32
      %gt3A_441 = vector.broadcast %gt3A : f32 to vector<1x512xf32>
      %gt3A_442 = arith.cmpf ogt, %get3A_440, %gt3A_441 : vector<1x512xf32>
      %div3A_443 = arith.constant 1.000000e-01 : f32
      %div3A_444 = vector.broadcast %div3A_443 : f32 to vector<512x512xf32>
      %div3A_445 = arith.divf %dot_general3A_437, %div3A_444 : vector<512x512xf32>
      %jit3A = arith.constant -1.000000e+09 : f32
      %broadcast_in_dim3A_446 = vector.shape_cast %gt3A_442 : vector<1x512xi1> to vector<1x512xi1>
      %broadcast_in_dim3A_447 = vector.broadcast %broadcast_in_dim3A_446 : vector<1x512xi1> to vector<512x512xi1>
      %broadcast_in_dim3A_448 = vector.broadcast %jit3A : f32 to vector<512x512xf32>
      %select_n3A = arith.select %broadcast_in_dim3A_447, %div3A_445, %broadcast_in_dim3A_448 : vector<512x512xi1>, vector<512x512xf32>
      %reduce_max3A = arith.constant dense<0xFF800000> : vector<512xf32>
      %reduce_max3A_449 = vector.multi_reduction <maximumf>, %select_n3A, %reduce_max3A [1] : vector<512x512xf32> to vector<512xf32>
      %broadcast_in_dim3A_450 = vector.shape_cast %reduce_max3A_449 : vector<512xf32> to vector<512x1xf32>
      %sub3A = vector.broadcast %broadcast_in_dim3A_450 : vector<512x1xf32> to vector<512x512xf32>
      %sub3A_451 = arith.subf %select_n3A, %sub3A : vector<512x512xf32>
      %exp3A = math.exp %sub3A_451 : vector<512x512xf32>
      %reduce_sum3A_452 = arith.constant dense<0.000000e+00> : vector<512xf32>
      %reduce_sum3A_453 = vector.multi_reduction <add>, %exp3A, %reduce_sum3A_452 [1] : vector<512x512xf32> to vector<512xf32>
      %broadcast_in_dim3A_454 = vector.shape_cast %reduce_sum3A_453 : vector<512xf32> to vector<512x1xf32>
      %div3A_455 = vector.broadcast %broadcast_in_dim3A_454 : vector<512x1xf32> to vector<512x512xf32>
      %div3A_456 = arith.divf %exp3A, %div3A_455 : vector<512x512xf32>
      %convert_element_type3A_457 = arith.extui %gt3A_442 : vector<1x512xi1> to vector<1x512xi32>
      %convert_element_type3A_458 = arith.sitofp %convert_element_type3A_457 : vector<1x512xi32> to vector<1x512xf32>
      %mul3A_459 = vector.broadcast %convert_element_type3A_458 : vector<1x512xf32> to vector<512x512xf32>
      %mul3A_460 = arith.mulf %div3A_456, %mul3A_459 : vector<512x512xf32>
      %reduce_sum3A_461 = arith.constant dense<0.000000e+00> : vector<512xf32>
      %reduce_sum3A_462 = vector.multi_reduction <add>, %mul3A_460, %reduce_sum3A_461 [1] : vector<512x512xf32> to vector<512xf32>
      %broadcast_in_dim3A_463 = vector.shape_cast %reduce_sum3A_462 : vector<512xf32> to vector<512x1xf32>
      %gt3A_464 = arith.constant 0.000000e+00 : f32
      %gt3A_465 = vector.broadcast %gt3A_464 : f32 to vector<512x1xf32>
      %gt3A_466 = arith.cmpf ogt, %broadcast_in_dim3A_463, %gt3A_465 : vector<512x1xf32>
      %jit3A_467 = arith.constant 1.000000e+00 : f32
      %broadcast_in_dim3A_468 = vector.broadcast %jit3A_467 : f32 to vector<512x1xf32>
      %select_n3A_469 = arith.select %gt3A_466, %broadcast_in_dim3A_463, %broadcast_in_dim3A_468 : vector<512x1xi1>, vector<512x1xf32>
      %div3A_470 = vector.broadcast %select_n3A_469 : vector<512x1xf32> to vector<512x512xf32>
      %div3A_471 = arith.divf %mul3A_460, %div3A_470 : vector<512x512xf32>
      %get3A_472 = arith.constant 0 : index
      %get3A_473 = arith.constant 0 : index
      %get3A_474 = vector.load %arg7[%get3A_472, %get3A_473] : memref<512x128xf32, #tpu.memory_space<vmem>>, vector<512x128xf32>
      %dot_general3A_475 = arith.constant dense<0.000000e+00> : vector<512x128xf32>
      %dot_general3A_476 = tpu.matmul %div3A_471, %get3A_474, %dot_general3A_475 {dimension_numbers = #tpu.dot_dimension_numbers<[1], [0], [0], [1], [0, 0, 1, 1], [], []>, transpose_lhs_hint = false} : vector<512x512xf32>, vector<512x128xf32>, vector<512x128xf32> -> vector<512x128xf32>
      %get3A_477 = arith.constant 0 : index
      %get3A_478 = arith.constant 0 : index
      %get3A_479 = vector.load %arg11[%get3A_477, %get3A_478] : memref<256x128xf32, #tpu.memory_space<vmem>>, vector<256x128xf32>
      %dot_general3A_480 = arith.constant dense<0.000000e+00> : vector<512x128xf32>
      %dot_general3A_481 = tpu.matmul %mul3A_405, %get3A_479, %dot_general3A_480 {dimension_numbers = #tpu.dot_dimension_numbers<[1], [0], [0], [1], [0, 0, 1, 1], [], []>, transpose_lhs_hint = false} : vector<512x256xf32>, vector<256x128xf32>, vector<512x128xf32> -> vector<512x128xf32>
      %get3A_482 = arith.constant 0 : index
      %get3A_483 = arith.constant 0 : index
      %get3A_484 = vector.load %arg12[%get3A_482, %get3A_483] : memref<128x128xf32, #tpu.memory_space<vmem>>, vector<128x128xf32>
      %dot_general3A_485 = arith.constant dense<0.000000e+00> : vector<512x128xf32>
      %dot_general3A_486 = tpu.matmul %dot_general3A_476, %get3A_484, %dot_general3A_485 {dimension_numbers = #tpu.dot_dimension_numbers<[1], [0], [0], [1], [0, 0, 1, 1], [], []>, transpose_lhs_hint = false} : vector<512x128xf32>, vector<128x128xf32>, vector<512x128xf32> -> vector<512x128xf32>
      %add3A_487 = arith.addf %dot_general3A_481, %dot_general3A_486 : vector<512x128xf32>
      %get3A_488 = arith.constant 0 : index
      %get3A_489 = arith.constant 0 : index
      %get3A_490 = vector.load %arg13[%get3A_488, %get3A_489] : memref<1x128xf32, #tpu.memory_space<vmem>>, vector<1x128xf32>
      %add3A_491 = vector.broadcast %get3A_490 : vector<1x128xf32> to vector<512x128xf32>
      %add3A_492 = arith.addf %add3A_487, %add3A_491 : vector<512x128xf32>
      %swap3A_493 = arith.constant 0 : index
      %swap3A_494 = arith.constant 0 : index
      %swap3A_495 = vector.load %arg14[%swap3A_493, %swap3A_494] : memref<512x128xf32, #tpu.memory_space<vmem>>, vector<512x128xf32>
      tpu.vector_store %arg14[%swap3A_493, %swap3A_494], %add3A_492 {strides = array<i32>} : memref<512x128xf32, #tpu.memory_space<vmem>>, vector<512x128xf32>,
    } else {
    }
    return
  }
  func.func @transform_0(%arg0: i32) -> (i32, i32, i32) {
    %c0_i32 = arith.constant 0 : i32
    %c0_i32_0 = arith.constant 0 : i32
    %c0_i32_1 = arith.constant 0 : i32
    return %c0_i32, %arg0, %c0_i32_0 : i32, i32, i32
  }
  func.func @transform_1(%arg0: i32) -> (i32, i32) {
    %c0_i32 = arith.constant 0 : i32
    %c0_i32_0 = arith.constant 0 : i32
    %c0_i32_1 = arith.constant 0 : i32
    return %c0_i32, %c0_i32_0 : i32, i32
  }
  func.func @transform_2(%arg0: i32) -> (i32, i32) {
    %c0_i32 = arith.constant 0 : i32
    %c0_i32_0 = arith.constant 0 : i32
    %c0_i32_1 = arith.constant 0 : i32
    return %c0_i32, %c0_i32_0 : i32, i32
  }
  func.func @transform_3(%arg0: i32) -> (i32, i32) {
    %c0_i32 = arith.constant 0 : i32
    %c0_i32_0 = arith.constant 0 : i32
    %c0_i32_1 = arith.constant 0 : i32
    return %c0_i32, %c0_i32_0 : i32, i32
  }
  func.func @transform_4(%arg0: i32) -> (i32, i32) {
    %c0_i32 = arith.constant 0 : i32
    %c0_i32_0 = arith.constant 0 : i32
    %c0_i32_1 = arith.constant 0 : i32
    return %c0_i32, %c0_i32_0 : i32, i32
  }
  func.func @transform_5(%arg0: i32) -> (i32, i32) {
    %c0_i32 = arith.constant 0 : i32
    %c0_i32_0 = arith.constant 0 : i32
    %c0_i32_1 = arith.constant 0 : i32
    return %c0_i32, %c0_i32_0 : i32, i32
  }
  func.func @transform_6(%arg0: i32) -> (i32, i32) {
    %c0_i32 = arith.constant 0 : i32
    %c0_i32_0 = arith.constant 0 : i32
    %c0_i32_1 = arith.constant 0 : i32
    return %c0_i32, %c0_i32_0 : i32, i32
  }
  func.func @transform_7(%arg0: i32) -> (i32, i32) {
    %c0_i32 = arith.constant 0 : i32
    %c0_i32_0 = arith.constant 0 : i32
    %c0_i32_1 = arith.constant 0 : i32
    return %c0_i32, %c0_i32_0 : i32, i32
  }
  func.func @transform_8(%arg0: i32) -> (i32, i32) {
    %c0_i32 = arith.constant 0 : i32
    %c0_i32_0 = arith.constant 0 : i32
    %c0_i32_1 = arith.constant 0 : i32
    return %c0_i32, %c0_i32_0 : i32, i32
  }
  func.func @transform_9(%arg0: i32) -> (i32, i32) {
    %c0_i32 = arith.constant 0 : i32
    %c0_i32_0 = arith.constant 0 : i32
    %c0_i32_1 = arith.constant 0 : i32
    return %c0_i32, %c0_i32_0 : i32, i32
  }
  func.func @transform_10(%arg0: i32) -> (i32, i32) {
    %c0_i32 = arith.constant 0 : i32
    %c0_i32_0 = arith.constant 0 : i32
    %c0_i32_1 = arith.constant 0 : i32
    return %c0_i32, %c0_i32_0 : i32, i32
  }
  func.func @transform_11(%arg0: i32) -> (i32, i32) {
    %c0_i32 = arith.constant 0 : i32
    %c0_i32_0 = arith.constant 0 : i32
    %c0_i32_1 = arith.constant 0 : i32
    return %c0_i32, %c0_i32_0 : i32, i32
  }
  func.func @transform_12(%arg0: i32) -> (i32, i32) {
    %c0_i32 = arith.constant 0 : i32
    %c0_i32_0 = arith.constant 0 : i32
    %c0_i32_1 = arith.constant 0 : i32
    return %c0_i32, %c0_i32_0 : i32, i32
  }
  func.func @transform_13(%arg0: i32) -> (i32, i32) {
    %c0_i32 = arith.constant 0 : i32
    %c0_i32_0 = arith.constant 0 : i32
    %c0_i32_1 = arith.constant 0 : i32
    return %c0_i32, %c0_i32_0 : i32, i32
  }
}

</mosaic_0001>

<sc_bundles>
// kernel: kernel.5.cloned.1.call-start
scs
__scs_entry_jumppad:
0x0: {  	(pc) =	sbr.rel $0x88, $3  }
0x1: {  	(tag) =	ssettag $0x0;
	lr =	simm.s32 $0x1  }
0x2: {  	[smem:$0x3F98] =	sst lr;
	_ =	strace $0xD0000000  }
0x3: {  	_ = 	snop  }
0x4: {  	_ = 	snop  }
0x5: {  	_ = 	snop  }
0x6: {  	_ = 	snop  }
0x7: {  	_ = 	snop  }
__scs_overlays_trampoline_lowered:
0x8: {  	[smem:$0x3FA7] =	sst s0  }
0x9: {  	[smem:$0x3FA8] =	sst s1  }
0xa: {  	[smem:$0x3FA9] =	sst s2  }
0xb: {  	[smem:$0x3FAA] =	sst s3  }
0xc: {  	[smem:$0x3FAB] =	sst s4  }
0xd: {  	[smem:$0x3FAC] =	sst s5  }
0xe: {  	[smem:$0x3FAD] =	sst s6  }
0xf: {  	[smem:$0x3FAE] =	sst s7  }
0x10: {  	[smem:$0x3FAF] =	sst s8  }
0x11: {  	[smem:$0x3FB0] =	sst s9;
	s0 =	simm.s32 @!p0 $0x0  }
0x12: {  	s1 =	sld [smem:$0x3F96];
	s0 =	simm.s32 @p0 $0x1  }
0x13: {  	[smem:$0x3FB1] =	sst s0;
	s0 =	simm.s32 @!p1 $0x0  }
0x14: {  	s2 =	sld [smem:$0x3F95];
	s0 =	simm.s32 @p1 $0x1  }
0x15: {  	[smem:$0x3FB2] =	sst s0;
	s0 =	simm.s32 @!p2 $0x0  }
0x16: {  	s3 =	sld [smem:$0x3FDB];
	s0 =	simm.s32 @p2 $0x1  }
0x17: {  	s4 =	simm.s32 $0x1BF5;
	[smem:$0x3FB4] =	sst s0  }
0x18: {  	s0 =	sld [smem:$0x3F97];
	_ =	swait.ge [sflag:s4], $0x0  }
0x19: {  	s7 =	sld [smem:$0x3F98]  }
0x1a: {  	s8 =	sadd.s32 $0xFFFFE003, lr  }
0x1b: {  	s9 =	sadd.s32 $0xFFFFFEF7, lr;
	s5 =	simm.s32 $0xFFFFFFFF;
	p2 =	slt.u32 s8, $0xFFFFF086  }
0x1c: {  	p1 =	slt.u32 s9, $0xF7A;
	s5 =	simm.s32 @!p2 $0x0  }
0x1d: {  	s5 =	simm.s32 @p1 $0x1;
	p0 =	seq.s32 s7, s2  }
0x1e: {  	s7 =	smul.u32 @!p0 $0xF7A, s2;
	p2 =	seq.s32 @!p0 s5, $0x0  }
0x1f: {  	s9 =	smul.u32 $0xF7A, s1;
	s8 =	simm.s32 @!p0 $0x1BF5;
	p2 =	por !p2, p0  }
0x20: {  	[sflag:s8] =	ssyncset.s32 @!p0 $0xFFFFF086;
	s6 =	sadd.s32 @!p0 s3, s7;
	s7 =	simm.s32 @!p0 $0x108  }
0x21: {  	s3 =	sadd.s32 s3, s9;
	s6 =	sadd.s32 @!p0 $0x88, s6;
	s7 =	simm.s32 @p2 $0x1082  }
0x22: {  	[simem:s7], [sflag:s8] =	dma.local @!p0 [hbm:s6], $0xF7A  }
0x23: {  	s9 =	sor.u32 $0xD0000000, s2;
	s6 =	simm.s32 $0x108;
	_ =	swait.ge @!p0 [sflag:s8], $0x0  }
0x24: {  	s3 =	sadd.s32 $0x88, s3;
	s6 =	simm.s32 @!p1 $0x1082;
	[sflag:s4] =	ssyncset.s32 $0xFFFFF086  }
0x25: {  	[simem:s6], [sflag:s4] =	dma.local [hbm:s3], $0xF7A  }
0x26: {  	[smem:$0x3F98] =	sst s1;
	(tag) =	ssettag s2;
	_ =	strace s9  }
0x27: {  	s1 =	sld [smem:$0x3FA8]  }
0x28: {  	s2 =	sld [smem:$0x3FA9]  }
0x29: {  	s4 =	sld [smem:$0x3FAB]  }
0x2a: {  	p0 =	seq.s32 s5, $0x0;
	s5 =	sld [smem:$0x3FAC]  }
0x2b: {  	s6 =	sld [smem:$0x3FAD]  }
0x2c: {  	s7 =	sld [smem:$0x3FAE]  }
0x2d: {  	s3 =	simm.s32 $0x108;
	s8 =	sld [smem:$0x3FAF]  }
0x2e: {  	s3 =	simm.s32 @!p0 $0x1082;
	s9 =	sld [smem:$0x3FB0]  }
0x2f: {  	lr =	sadd.s32 s0, s3;
	s0 =	sld [smem:$0x3FA7]  }
0x30: {  	s3 =	sld [smem:$0x3FAA]  }
0x31: {  	[smem:$0x3FB3] =	sst s10  }
0x32: {  	s10 =	sld [smem:$0x3FB1];
	_ =	sdelay $0x3  }
0x33: {  	p0 =	seq.s32 s10, $0x1;
	s10 =	sld [smem:$0x3FB3];
	_ =	sdelay $0x3  }
0x34: {  	[smem:$0x3FB3] =	sst s10  }
0x35: {  	s10 =	sld [smem:$0x3FB2];
	_ =	sdelay $0x3  }
0x36: {  	p1 =	seq.s32 s10, $0x1;
	s10 =	sld [smem:$0x3FB3];
	_ =	sdelay $0x3  }
0x37: {  	[smem:$0x3FB3] =	sst s10  }
0x38: {  	s10 =	sld [smem:$0x3FB4]  }
0x39: {  	_ = 	snop;
	(pc) =	sbr.ind lr, $3  }
0x3a: {  	_ = 	snop  }
0x3b: {  	_ = 	snop  }
0x3c: {  	p2 =	seq.s32 s10, $0x1;
	s10 =	sld [smem:$0x3FB3]  }
0x3d: {  	_ =	shalt  }
0x3e: {  	_ =	shalt  }
0x3f: {  	_ =	shalt  }
0x40: {  	_ =	shalt  }
0x41: {  	_ =	shalt  }
0x42: {  	_ =	shalt  }
0x43: {  	_ =	shalt  }
0x44: {  	_ =	shalt  }
0x45: {  	_ =	shalt  }
0x46: {  	_ =	shalt  }
0x47: {  	_ =	shalt  }
0x48: {  	_ =	shalt  }
0x49: {  	_ =	shalt  }
0x4a: {  	_ =	shalt  }
0x4b: {  	_ =	shalt  }
0x4c: {  	_ =	shalt  }
0x4d: {  	_ =	shalt  }
0x4e: {  	_ =	shalt  }
0x4f: {  	_ =	shalt  }
0x50: {  	_ =	shalt  }
0x51: {  	_ =	shalt  }
0x52: {  	_ =	shalt  }
0x53: {  	_ =	shalt  }
0x54: {  	_ =	shalt  }
0x55: {  	_ =	shalt  }
0x56: {  	_ =	shalt  }
0x57: {  	_ =	shalt  }
0x58: {  	_ =	shalt  }
0x59: {  	_ =	shalt  }
0x5a: {  	_ =	shalt  }
0x5b: {  	_ =	shalt  }
0x5c: {  	_ =	shalt  }
0x5d: {  	_ =	shalt  }
0x5e: {  	_ =	shalt  }
0x5f: {  	_ =	shalt  }
0x60: {  	_ =	shalt  }
0x61: {  	_ =	shalt  }
0x62: {  	_ =	shalt  }
0x63: {  	_ =	shalt  }
0x64: {  	_ =	shalt  }
0x65: {  	_ =	shalt  }
0x66: {  	_ =	shalt  }
0x67: {  	_ =	shalt  }
0x68: {  	_ =	shalt  }
0x69: {  	_ =	shalt  }
0x6a: {  	_ =	shalt  }
0x6b: {  	_ =	shalt  }
0x6c: {  	_ =	shalt  }
0x6d: {  	_ =	shalt  }
0x6e: {  	_ =	shalt  }
0x6f: {  	_ =	shalt  }
0x70: {  	_ =	shalt  }
0x71: {  	_ =	shalt  }
0x72: {  	_ =	shalt  }
0x73: {  	_ =	shalt  }
0x74: {  	_ =	shalt  }
0x75: {  	_ =	shalt  }
0x76: {  	_ =	shalt  }
0x77: {  	_ =	shalt  }
0x78: {  	_ =	shalt  }
0x79: {  	_ =	shalt  }
0x7a: {  	_ =	shalt  }
0x7b: {  	_ =	shalt  }
0x7c: {  	_ =	shalt  }
0x7d: {  	_ =	shalt  }
0x7e: {  	_ =	shalt  }
0x7f: {  	_ =	shalt  }
0x80: {  	_ =	shalt  }
0x81: {  	_ =	shalt  }
0x82: {  	_ =	shalt  }
0x83: {  	_ =	shalt  }
0x84: {  	_ =	shalt  }
0x85: {  	_ =	shalt  }
0x86: {  	_ =	shalt  }
0x87: {  	_ =	shalt  }
.Lfunc_end0:
.L_simem_size_0:
called_computation_lowered:
.L_overlay_start_0:
0x88: {  	s2 =	sld [smem:$0x3FD9]  }
0x89: {  	s3 =	sld [smem:$0x3FFE];
	_ =	sdelay $0x1  }
0x8a: {  	s1 =	srdreg.scid  }
0x8b: {  	s0 =	sand.u32 $0x1, s1  }
0x8c: {  	s17 =	sshll.u32 s0, $0xA;
	s2 =	sadd.s32 s3, s2  }
0x8d: {  	s2 =	sadd.s32 s2, s17  }
0x8e: {  	[smem:$0x3FBF] =	sst s2  }
0x8f: {  	_ = 	snop  }
0x90: {  	s2 =	sld [smem:$0x3FD0];
	(tm) =	ssettm $0x1  }
0x91: {  	s18 =	sld [smem:$0x3FFB];
	_ =	sdelay $0x3  }
0x92: {  	_ =	strace s18  }
0x93: {  	s3 =	sld [smem:$0x3FFC];
	_ =	sdelay $0x3  }
0x94: {  	_ =	strace s3  }
0x95: {  	s3 =	sld [smem:$0x3FFD];
	_ =	sdelay $0x3  }
0x96: {  	_ =	strace s3  }
0x97: {  	_ =	strace $0x8FFFFFFF  }
0x98: {  	s19 =	sld [smem:$0x3FDB];
	_ =	sdelay $0x1  }
0x99: {  	s4 =	simm.s32 $_scs_section_size  }
0x9a: {  	s5 =	simm.s32 $_size__tile_overlayer_lowered;
	s6 =	simm.s32 $_tile_overlayer_lowered  }
0x9b: {  	s22 =	simm.s32 $0x1BFF;
	s21 =	sshll.u32 s6, $0x1;
	s3 =	sadd.s32 s4, s19  }
0x9c: {  	s7 =	simm.s32 $0x0;
	s20 =	sshll.u32 s5, $0x1;
	s5 =	sadd.s32 s21, s3  }
0x9d: {  	[timem:s7], [sflag:s22] =	dma.local [hbm:s5], s20  }
0x9e: {  	_ =	swait.ge [sflag:s22], s20  }
0x9f: {  	s4 =	ssub.s32 $0x0, s20;
	[sflag:s22] =	ssyncset.done $0x0  }
0xa0: {  	[sflag:s22] =	ssyncadd.s32 s4;
	_ =	sdelay $0x1  }
0xa1: {  	s23 =	simm.s32 $0x1B8B  }
0xa2: {  	_ =	swait.ge [sflag:s23], $0x1  }
0xa3: {  	[sflag:s23] =	ssyncset.done $0x0  }
0xa4: {  	s25 =	simm.s32 $0x1B8E;
	s24 =	sld [smem:$0x3FFE];
	[sflag:s23] =	ssyncadd.s32 $0xFFFFFFFF  }
0xa5: {  	s26 =	simm.s32 $execute0_lowered;
	[smem:$0x3FD2] =	sst s25  }
0xa6: {  	s5 =	sshll.u32 s26, $0x1;
	_ =	strace $0x80000046;
	[dreg:$0x1] =	wrdreg $0xFFFFFFFF  }
0xa7: {  	s28 =	simm.s32 $_size_execute0_lowered;
	s3 =	sadd.s32 s3, s5;
	[dreg:$0x0] =	wrdreg $0x0  }
0xa8: {  	s5 =	sshll.u32 s28, $0x1;
	[dreg:$0x2] =	wrdreg s3  }
0xa9: {  	[dreg:$0x3] =	wrdreg s5  }
0xaa: {  	[dreg:$0x4] =	wrdreg $0xC0  }
0xab: {  	_ =	task [dreg:s7], $0x5FFFF  }
0xac: {  	[dreg:$0x1] =	wrdreg $0xFFFFFFFF  }
0xad: {  	[dreg:$0x0] =	wrdreg $0x60  }
0xae: {  	[dreg:$0x2] =	wrdreg s24  }
0xaf: {  	[dreg:$0x3] =	wrdreg s2  }
0xb0: {  	[dreg:$0x4] =	wrdreg $0x9  }
0xb1: {  	_ =	task.clear_ibuf [dreg:s7], $0x5FFFF;
	_ =	strace $0x90000046  }
0xb2: {  	s29 =	simm.s32 $0x9;
	_ =	strace $0x80000048  }
0xb3: {  	_ =	swait.ge [sflag:s29], $0x1  }
0xb4: {  	[sflag:s29] =	ssyncadd.s32 $0xFFFFFFFF  }
0xb5: {  	_ =	strace $0x90000048  }
0xb6: {  	_ =	sfence  }
0xb7: {  	s30 =	sld [smem:$0x0];
	_ =	sdelay $0x2  }
0xb8: {  	s31 =	sshll.u32 s1, $0xD;
	s1 =	sshrl.u32 s1, $0x2  }
0xb9: {  	s3 =	sand.u32 $0x4000, s31;
	s1 =	sadd.s32 s1, s30  }
0xba: {  	s0 =	sor.u32 s3, s0;
	s1 =	sshll.u32 s1, $0x11  }
0xbb: {  	s0 =	sor.u32 s1, s0  }
0xbc: {  	s0 =	sadd.s32 $0x8F2B, s0  }
0xbd: {  	[sflag:s0] =	ssyncadd.remote.s32 $0x1  }
0xbe: {  	_ =	sfence.sel $0xFFFF  }
0xbf: {  	[dreg:$0x0] =	wrdreg $0xFFFFFFFF;
	(pc) =	sbr.abs _section_cstart, $3  }
0xc0: {  	[dreg:$0x1] =	wrdreg $0xFFFFFFFF  }
0xc1: {  	_ =	task.clear_ibuf [dreg:s7], $0x2FFFF;
	_ =	strace $0x9FFFFFFF  }
0xc2: {  	(tm) =	ssettm $0x7FFFFFFF  }
0xc3: {  	_ =	shalt  }
tec
execute0_lowered:
.L_overlay_start_1:
0x0: {  	(tag) =	ssettag $0x1  }
0x1: {  	s1 =	srdreg.scid;
	s0 =	stileid.u32  }
0x2: {  	s13 =	rddreg [dreg:$0x0];
	s12 =	sand.u32 $0x1, s1;
	s30 =	sshll.u32 s0, $0x1  }
0x3: {  	s14 =	rddreg [dreg:$0x1];
	s15 =	sor.u32 s12, s30  }
0x4: {  	s2 =	simm.s32 $0x0;
	s1 =	rddreg [dreg:$0x2];
	s3 =	sshll.u32 s15, $0x4  }
0x5: {  	[smem:$0x7FF] =	sst s2;
	s3 =	sadd.s32 s3, s13  }
0x6: {  	_ =	strace $0x80000047;
	s4 =	sadd.s32 $0x343C00, s3;
	s3 =	simm.s32 $0x3  }
0x7: {  	[tilespmem:s2], [sflag:$0x3] =	stream.linear.gather [hbm4b:s4+s2], $0x80, $0x38;
	[tilespmem:$0x1080] =	vst v63  }
0x8: {  	_ =	swait.ge [sflag:s3], $0x80  }
0x9: {  	s6 =	simm.s32 $0x10;
	[sflag:s3] =	ssyncset.done $0x0  }
0xa: {  	s7 =	simm.s32 $0x80;
	s5 =	sadd.s32 $0x342000, s13;
	[sflag:s3] =	ssyncadd.s32 $0xFFFFFF80  }
0xb: {  	[tilespmem:s7], [sflag:$0x1] =	stream.indirect.gather [hbm4b:s5+s6], $0x80, s2, s6, $0xb8;
	[tilespmem:$0x1080] =	vst v63  }
0xc: {  	s9 =	simm.s32 $0x880;
	s10 =	simm.s32 $0x1;
	s8 =	sadd.s32 $0x342E00, s13  }
0xd: {  	[tilespmem:s9], [sflag:$0x2] =	stream.indirect.gather [hbm4b:s8+s6], $0x80, s2, s6, $0xb8;
	[tilespmem:$0x1080] =	vst v63  }
0xe: {  	_ =	swait.ge [sflag:s10], $0x800  }
0xf: {  	[sflag:s10] =	ssyncset.done $0x0  }
0x10: {  	s11 =	simm.s32 $0x2;
	s16 =	ssub.s32 $0x2, s12;
	[sflag:s10] =	ssyncadd.s32 $0xFFFFF800  }
0x11: {  	s15 =	sshll.u32 s15, $0x8;
	s31 =	sshrl.u32 s16, $0x1;
	_ =	swait.ge [sflag:s11], $0x800  }
0x12: {  	s12 =	sadd.s32 s14, s15;
	s14 =	ssub.s32 s16, s31;
	[sflag:s11] =	ssyncset.done $0x0  }
0x13: {  	s14 =	smax.u32 s14, $0x1;
	[sflag:s11] =	ssyncadd.s32 $0xFFFFF800  }
0x14: {  	[hbm4b:s12+s2] =	stream.linear.scatter [tilespmem:s7], [sflag:$0x3], $0x800, $0x38;
	[tilespmem:$0x1080] =	vst v63  }
0x15: {  	p0 =	sne.s32 s14, $0x1;
	_ =	swait.ge [sflag:s3], $0x800  }
.Ltmp0:
0x16: {  	s13 =	sadd.s32 s15, s13;
	[sflag:s3] =	ssyncset.done $0x0;
	(pc) =	sbr.rel @!p0 .LBB2_2-.Ltmp0, $4  }
0x17: {  	s13 =	sadd.s32 $0x343E00, s13;
	[sflag:s3] =	ssyncadd.s32 $0xFFFFF800  }
0x18: {  	[hbm4b:s13+s2] =	stream.linear.scatter [tilespmem:s9], [sflag:$0x3], $0x800, $0x38;
	[tilespmem:$0x1080] =	vst v63  }
0x19: {  	_ =	swait.ge [sflag:s3], $0x800  }
0x1a: {  	s14 =	sadd.s32 $0xFFFFFFFF, s14;
	[sflag:s3] =	ssyncset.done $0x0  }
.LBB2_1:
0x1b: {  	p0 =	sne.s32 s14, $0x1;
	s14 =	sadd.s32 $0xFFFFFFFF, s14;
	[sflag:s3] =	ssyncadd.s32 $0xFFFFF800  }
0x1c: {  	[tilespmem:s2], [sflag:$0x3] =	stream.linear.gather [hbm4b:s4+s2], $0x80, $0x38;
	[tilespmem:$0x1080] =	vst v63  }
0x1d: {  	_ =	swait.ge [sflag:s3], $0x80  }
0x1e: {  	[sflag:s3] =	ssyncset.done $0x0  }
0x1f: {  	[sflag:s3] =	ssyncadd.s32 $0xFFFFFF80  }
0x20: {  	[tilespmem:s7], [sflag:$0x1] =	stream.indirect.gather [hbm4b:s5+s6], $0x80, s2, s6, $0xb8;
	[tilespmem:$0x1080] =	vst v63  }
0x21: {  	_ = 	snop  }
0x22: {  	[tilespmem:s9], [sflag:$0x2] =	stream.indirect.gather [hbm4b:s8+s6], $0x80, s2, s6, $0xb8;
	[tilespmem:$0x1080] =	vst v63  }
0x23: {  	_ =	swait.ge [sflag:s10], $0x800  }
0x24: {  	[sflag:s10] =	ssyncset.done $0x0  }
0x25: {  	[sflag:s10] =	ssyncadd.s32 $0xFFFFF800  }
0x26: {  	_ =	swait.ge [sflag:s11], $0x800  }
0x27: {  	[sflag:s11] =	ssyncset.done $0x0  }
0x28: {  	[sflag:s11] =	ssyncadd.s32 $0xFFFFF800  }
0x29: {  	[hbm4b:s12+s2] =	stream.linear.scatter [tilespmem:s7], [sflag:$0x3], $0x800, $0x38;
	[tilespmem:$0x1080] =	vst v63  }
0x2a: {  	_ =	swait.ge [sflag:s3], $0x800  }
.Ltmp1:
0x2b: {  	[sflag:s3] =	ssyncset.done $0x0;
	(pc) =	sbr.rel @p0 .LBB2_1-.Ltmp1, $4  }
0x2c: {  	[sflag:s3] =	ssyncadd.s32 $0xFFFFF800  }
0x2d: {  	[hbm4b:s13+s2] =	stream.linear.scatter [tilespmem:s9], [sflag:$0x3], $0x800, $0x38;
	[tilespmem:$0x1080] =	vst v63  }
0x2e: {  	_ =	swait.ge [sflag:s3], $0x800  }
0x2f: {  	[sflag:s3] =	ssyncset.done $0x0  }
.LBB2_2:
0x30: {  	[sflag:s3] =	ssyncadd.s32 $0xFFFFF800  }
0x31: {  	_ =	sfence.sel $0x180000  }
0x32: {  	[bflag:$0x0] =	sbarrier.arrive $0xFFFF  }
0x33: {  	p0 =	sne.s32 s0, $0x0;
	_ =	strace $0x90000047  }
0x34: {  	s0 =	sadd.s32 @!p0 $0x100000, s1;
	[bflag:$0x2] =	sbarrier.arrive $0xFFFF  }
0x35: {  	[sflag:s0] =	ssyncadd.tile.s32 @!p0 $0x1;
	_ =	shalt  }
.Lfunc_end2:
_tile_overlayer_lowered:
.L_overlay_start_2:
0x36: {  	(tag) =	ssettag $0x2  }
0x37: {  	s0 =	rddreg [dreg:$0x0];
	s2 =	stileid.u32  }
0x38: {  	s1 =	rddreg [dreg:$0x1];
	p0 =	sne.s32 s2, $0x0  }
0x39: {  	s3 =	rddreg [dreg:$0x2];
	[bflag:$0x3] =	sbarrier.arrive $0xFFFF;
	s2 =	simm.s32 @!p0 $0x1C03  }
0x3a: {  	[timem:s3], [sflag:s2] =	dma.local @!p0 [hbm:s0], s1  }
0x3b: {  	s0 =	simm.s32 @!p0 $0x3  }
0x3c: {  	_ =	swait.ge @!p0 [sflag:s0], s1  }
0x3d: {  	s1 =	ssub.s32 @!p0 $0x0, s1;
	[sflag:s0] =	ssyncset.done @!p0 $0x0  }
0x3e: {  	[sflag:s0] =	ssyncadd.s32 @!p0 s1  }
0x3f: {  	[bflag:$0x3] =	sbarrier.arrive $0xFFFF  }
0x40: {  	_ =	shalt  }

</sc_bundles>
